<compile_context>
chip_gen: v7x
topology: tpu7x:2x2x1
jax: 0.10.2.dev20260603
libtpu: 0.0.44.dev20260713+nightly
codegen_flags: <defaults>
</compile_context>

<pallas_src>
import functools

import jax
import jax.numpy as jnp
from jax import lax
from jax.experimental import pallas as pl
from jax.experimental.pallas import tpu as pltpu
from jax.experimental.pallas import tpu_sc as plsc

B = 16384
NF = 26
VOCAB = 100000
H = 64

NC = 2
NS = 16
NW = NC * NS

CH = B // NW
H_WORDS = CH * H

VCH = 25600
NJ = (VOCAB + VCH - 1) // VCH
VPAD = NJ * VCH
NROWS = NF * VPAD


def _tc_preweight_body(tv_ref, w0_ref, w1_ref, b_ref, o_ref):
    dims = (((0,), (1,)), ((), ()))
    d0 = lax.dot_general(tv_ref[0, :, : VCH // 2], w0_ref[...], dims,
                         preferred_element_type=jnp.float32,
                         precision=lax.Precision.DEFAULT)
    d1 = lax.dot_general(tv_ref[0, :, VCH // 2:], w1_ref[...], dims,
                         preferred_element_type=jnp.float32,
                         precision=lax.Precision.DEFAULT)
    o_ref[0] = d0 + d1 + b_ref[...]


def _tc_preweight(tv, w0, w1, b2d):
    return pl.pallas_call(
        _tc_preweight_body,
        grid=(NF, NJ),
        in_specs=[
            pl.BlockSpec((1, H, VCH), lambda f, j: (f, 0, j)),
            pl.BlockSpec((2 * H, H), lambda f, j: (0, 0)),
            pl.BlockSpec((2 * H, H), lambda f, j: (0, 0)),
            pl.BlockSpec((1, 2 * H), lambda f, j: (0, 0)),
        ],
        out_specs=pl.BlockSpec((1, VCH // 2, 2 * H), lambda f, j: (f, j, 0)),
        out_shape=jax.ShapeDtypeStruct((NF, VPAD // 2, 2 * H), jnp.float32),
    )(tv, w0, w1, b2d)


def _sc_gather_sum_build():
    mesh = plsc.VectorSubcoreMesh(core_axis_name="c", subcore_axis_name="s")

    @functools.partial(
        pl.kernel,
        out_type=jax.ShapeDtypeStruct((B * H,), jnp.float32),
        mesh=mesh,
        compiler_params=pltpu.CompilerParams(use_tc_tiling_on_sc=False),
        scratch_types=[
            pltpu.VMEM((NF, CH), jnp.int32),
            pltpu.VMEM((CH, H), jnp.float32),
            pltpu.VMEM((CH, H), jnp.float32),
            pltpu.VMEM((H_WORDS,), jnp.float32),
            pltpu.SemaphoreType.DMA,
            pltpu.SemaphoreType.DMA,
        ],
    )
    def sc_gather_sum(u_hbm, idx_hbm, out_hbm, idx_v, buf0, buf1, h_v,
                      sem0, sem1):
        wid = lax.axis_index("s") * NC + lax.axis_index("c")
        base = wid * CH

        pltpu.sync_copy(idx_hbm.at[:, pl.ds(base, CH)], idx_v)

        def start(f, buf, sem):
            pltpu.async_copy(u_hbm.at[idx_v.at[f]], buf, sem)

        def wait(buf, sem):
            pltpu.make_async_copy(u_hbm.at[pl.ds(0, CH)], buf, sem).wait()

        zeros = jnp.zeros((16,), jnp.float32)

        def zero_body(i, carry):
            for k in range(8):
                h_v[pl.ds(i * 128 + k * 16, 16)] = zeros
            return carry

        lax.fori_loop(0, H_WORDS // 128, zero_body, 0)

        def accumulate2(bufa, bufb):
            def acc_body(i, carry):
                for k in range(4):
                    r = i * 4 + k
                    for c in range(H // 16):
                        plsc.addupdate(
                            h_v.at[pl.ds(r * H + c * 16, 16)],
                            bufa[r, pl.ds(c * 16, 16)]
                            + bufb[r, pl.ds(c * 16, 16)])
                return carry
            lax.fori_loop(0, CH // 4, acc_body, 0)

        start(0, buf0, sem0)
        start(1, buf1, sem1)

        def body(t, carry):
            f = t * 2
            wait(buf0, sem0)
            wait(buf1, sem1)
            accumulate2(buf0, buf1)
            start(f + 2, buf0, sem0)
            start(f + 3, buf1, sem1)
            return carry

        lax.fori_loop(0, NF // 2 - 1, body, 0)

        wait(buf0, sem0)
        wait(buf1, sem1)
        accumulate2(buf0, buf1)

        def relu_body(i, carry):
            for k in range(8):
                off = i * 128 + k * 16
                h_v[pl.ds(off, 16)] = jnp.maximum(h_v[pl.ds(off, 16)], 0.0)
            return carry

        lax.fori_loop(0, H_WORDS // 128, relu_body, 0)

        pltpu.sync_copy(h_v, out_hbm.at[pl.ds(wid * H_WORDS, H_WORDS)])

    return sc_gather_sum


_sc_gather_sum = _sc_gather_sum_build()


def kernel(x, tables, fc_w, fc_b):
    tv = jnp.transpose(tables, (0, 2, 1))
    bb = (jnp.concatenate([fc_b, fc_b]) * (1.0 / NF)).reshape(1, 2 * H)
    zw = jnp.zeros((H, H), jnp.float32)
    w0 = jnp.concatenate([fc_w, zw], axis=0)
    w1 = jnp.concatenate([zw, fc_w], axis=0)
    u = _tc_preweight(tv, w0, w1, bb)
    u2 = u.reshape(NROWS, H)
    v = jnp.transpose(x.astype(jnp.int32))
    offs = (jnp.arange(NF, dtype=jnp.int32) * VPAD)[:, None]
    idx_t = (offs + (v // VCH) * VCH + 2 * (v % (VCH // 2))
             + (v // (VCH // 2)) % 2)
    return _sc_gather_sum(u2, idx_t).reshape(B, H)

# --- scband reference (transcript-rebuilt; emitter-appended) ---
"""Pipeline reference for scband-label-encoder-66151086293251 (READ-ONLY COPY).

The authoritative reference and input builder live on the scoring server;
editing this copy changes nothing except your own understanding.
"""

import jax, jax.numpy as jnp
import numpy as np

B = 16384
NF = 26
VOCAB = 100000
H = 64

def setup_inputs(seed: int = 0) -> dict:
    key = jax.random.key(seed)
    k_x, k_t, k_w, k_b = jax.random.split(key, 4)
    x = jax.random.randint(k_x, (B, NF), 0, VOCAB, dtype=jnp.int64) if jax.config.jax_enable_x64 else jax.random.randint(k_x, (B, NF), 0, VOCAB, dtype=jnp.int32)
    tables = jax.random.normal(k_t, (NF, VOCAB, H), dtype=jnp.float32) * 0.02
    fc_w = jax.random.normal(k_w, (H, H), dtype=jnp.float32) * (1.0 / np.sqrt(H))
    fc_b = jax.random.normal(k_b, (H,), dtype=jnp.float32) * 0.01
    return {"x": x, "tables": tables, "fc_w": fc_w, "fc_b": fc_b}

def reference(x, tables, fc_w, fc_b):
    # stack per-field embedding lookups along last dim, then sum (same as summing embeddings)
    gathered = jnp.stack([tables[i][x[:, i]] for i in range(NF)], axis=-1)  # [B, H, NF]
    h = gathered.sum(axis=-1)  # [B, H]
    h = h @ fc_w.T + fc_b      # torch nn.Linear: y = x W^T + b
    h = jax.nn.relu(h)
    return h

if __name__ == "__main__":
    import jax
    _d = setup_inputs()
    print(jax.jit(kernel)(*tuple(_d.values())))

</pallas_src>

<mosaic_0001>
#map = affine_map<(d0, d1) -> (0, 0)>
#map1 = affine_map<(d0, d1) -> (0)>
module attributes {stable_mosaic.version = 14 : i64} {
  func.func @sc_gather_sum(%arg0: i32, %arg1: i32, %arg2: memref<2662400x64xf32, #tpu.memory_space<hbm>>, %arg3: memref<26x16384xi32, #tpu.memory_space<hbm>>, %arg4: memref<1048576xf32, #tpu.memory_space<hbm>>, %arg5: memref<26x512xi32, #tpu.memory_space<vmem>>, %arg6: memref<512x64xf32, #tpu.memory_space<vmem>>, %arg7: memref<512x64xf32, #tpu.memory_space<vmem>>, %arg8: memref<32768xf32, #tpu.memory_space<vmem>>, %arg9: memref<!tpu.dma_semaphore, #tpu.memory_space<semaphore_mem>>, %arg10: memref<!tpu.dma_semaphore, #tpu.memory_space<semaphore_mem>>) attributes {dimension_semantics = [#tpu.dimension_semantics<core_parallel>, #tpu.dimension_semantics<subcore_parallel>], iteration_bounds = array<i64: 2, 16>, scalar_prefetch = 0 : i64, scratch_operands = 6 : i64, tpu.core_type = #tpu.core_type<sc_vector_subcore>, window_params = [{transform_indices = #map}, {transform_indices = #map}, {transform_indices = #map1}]} {
    %mul3A = arith.constant 2 : i32
    %mul3A_0 = arith.muli %arg1, %mul3A : i32
    %add3A = arith.addi %mul3A_0, %arg0 : i32
    %mul3A_1 = arith.constant 512 : i32
    %mul3A_2 = arith.muli %add3A, %mul3A_1 : i32
    "tpu.region"() ({
      %run_scoped3A = tpu.sem_alloc : memref<!tpu.dma_semaphore, #tpu.memory_space<semaphore_mem>>
      %dma_start3A_53 = arith.constant 0 : i32
      %dma_start3A_54 = tpu.memref_slice %arg3[%dma_start3A_53, %mul3A_2] : memref<26x16384xi32, #tpu.memory_space<hbm>> -> memref<26x512xi32, #tpu.memory_space<hbm>>
      %dma_start3A_55 = arith.constant 0 : i32
      %dma_start3A_56 = tpu.memref_slice %arg3[%dma_start3A_55, %mul3A_2] : memref<26x16384xi32, #tpu.memory_space<hbm>> -> memref<26x512xi32, #tpu.memory_space<hbm>>
      tpu.enqueue_dma source(%dma_start3A_56 : memref<26x512xi32, #tpu.memory_space<hbm>>) target(%arg5 : memref<26x512xi32, #tpu.memory_space<vmem>>) target_semaphore(%run_scoped3A : memref<!tpu.dma_semaphore, #tpu.memory_space<semaphore_mem>>)
      %dma_wait3A_57 = arith.constant 0 : i32
      %dma_wait3A_58 = tpu.memref_slice %arg3[%dma_wait3A_57, %mul3A_2] : memref<26x16384xi32, #tpu.memory_space<hbm>> -> memref<26x512xi32, #tpu.memory_space<hbm>>
      %dma_wait3A_59 = arith.constant 0 : i32
      %dma_wait3A_60 = tpu.memref_slice %arg3[%dma_wait3A_59, %mul3A_2] : memref<26x16384xi32, #tpu.memory_space<hbm>> -> memref<26x512xi32, #tpu.memory_space<hbm>>
      tpu.wait_dma2 semaphore(%run_scoped3A : memref<!tpu.dma_semaphore, #tpu.memory_space<semaphore_mem>>) src(%dma_wait3A_60 : memref<26x512xi32, #tpu.memory_space<hbm>>) dst(%arg5 : memref<26x512xi32, #tpu.memory_space<vmem>>)
      tpu.yield
    }) : () -> ()
    %broadcast_in_dim3A = arith.constant 0.000000e+00 : f32
    %broadcast_in_dim3A_3 = vector.broadcast %broadcast_in_dim3A : f32 to vector<16xf32>
    %scan3A = arith.constant 0 : i32
    %scan3A_4 = arith.constant 0 : i32
    %scan3A_5 = arith.constant 256 : i32
    %scan3A_6 = arith.addi %scan3A_4, %scan3A_5 : i32
    %scan3A_7 = arith.constant 1 : i32
    scf.for %scan3A_53 = %scan3A_4 to %scan3A_6 step %scan3A_7  : i32 {
      %mul3A_54 = arith.constant 128 : i32
      %mul3A_55 = arith.muli %scan3A_53, %mul3A_54 : i32
      %add3A_56 = arith.constant 0 : i32
      %add3A_57 = arith.addi %mul3A_55, %add3A_56 : i32
      %swap3A = arith.index_cast %add3A_57 : i32 to index
      %swap3A_58 = tpu.vector_load %arg8[%swap3A] {strides = array<i32>} : memref<32768xf32, #tpu.memory_space<vmem>>, vector<16xf32>,
      %swap3A_59 = vector.shape_cast %swap3A_58 : vector<16xf32> to vector<16xf32>
      %swap3A_60 = vector.shape_cast %broadcast_in_dim3A_3 : vector<16xf32> to vector<16xf32>
      tpu.vector_store %arg8[%swap3A], %swap3A_60 {strides = array<i32>} : memref<32768xf32, #tpu.memory_space<vmem>>, vector<16xf32>,
      %mul3A_61 = arith.constant 128 : i32
      %mul3A_62 = arith.muli %scan3A_53, %mul3A_61 : i32
      %add3A_63 = arith.constant 16 : i32
      %add3A_64 = arith.addi %mul3A_62, %add3A_63 : i32
      %swap3A_65 = arith.index_cast %add3A_64 : i32 to index
      %swap3A_66 = tpu.vector_load %arg8[%swap3A_65] {strides = array<i32>} : memref<32768xf32, #tpu.memory_space<vmem>>, vector<16xf32>,
      %swap3A_67 = vector.shape_cast %swap3A_66 : vector<16xf32> to vector<16xf32>
      %swap3A_68 = vector.shape_cast %broadcast_in_dim3A_3 : vector<16xf32> to vector<16xf32>
      tpu.vector_store %arg8[%swap3A_65], %swap3A_68 {strides = array<i32>} : memref<32768xf32, #tpu.memory_space<vmem>>, vector<16xf32>,
      %mul3A_69 = arith.constant 128 : i32
      %mul3A_70 = arith.muli %scan3A_53, %mul3A_69 : i32
      %add3A_71 = arith.constant 32 : i32
      %add3A_72 = arith.addi %mul3A_70, %add3A_71 : i32
      %swap3A_73 = arith.index_cast %add3A_72 : i32 to index
      %swap3A_74 = tpu.vector_load %arg8[%swap3A_73] {strides = array<i32>} : memref<32768xf32, #tpu.memory_space<vmem>>, vector<16xf32>,
      %swap3A_75 = vector.shape_cast %swap3A_74 : vector<16xf32> to vector<16xf32>
      %swap3A_76 = vector.shape_cast %broadcast_in_dim3A_3 : vector<16xf32> to vector<16xf32>
      tpu.vector_store %arg8[%swap3A_73], %swap3A_76 {strides = array<i32>} : memref<32768xf32, #tpu.memory_space<vmem>>, vector<16xf32>,
      %mul3A_77 = arith.constant 128 : i32
      %mul3A_78 = arith.muli %scan3A_53, %mul3A_77 : i32
      %add3A_79 = arith.constant 48 : i32
      %add3A_80 = arith.addi %mul3A_78, %add3A_79 : i32
      %swap3A_81 = arith.index_cast %add3A_80 : i32 to index
      %swap3A_82 = tpu.vector_load %arg8[%swap3A_81] {strides = array<i32>} : memref<32768xf32, #tpu.memory_space<vmem>>, vector<16xf32>,
      %swap3A_83 = vector.shape_cast %swap3A_82 : vector<16xf32> to vector<16xf32>
      %swap3A_84 = vector.shape_cast %broadcast_in_dim3A_3 : vector<16xf32> to vector<16xf32>
      tpu.vector_store %arg8[%swap3A_81], %swap3A_84 {strides = array<i32>} : memref<32768xf32, #tpu.memory_space<vmem>>, vector<16xf32>,
      %mul3A_85 = arith.constant 128 : i32
      %mul3A_86 = arith.muli %scan3A_53, %mul3A_85 : i32
      %add3A_87 = arith.constant 64 : i32
      %add3A_88 = arith.addi %mul3A_86, %add3A_87 : i32
      %swap3A_89 = arith.index_cast %add3A_88 : i32 to index
      %swap3A_90 = tpu.vector_load %arg8[%swap3A_89] {strides = array<i32>} : memref<32768xf32, #tpu.memory_space<vmem>>, vector<16xf32>,
      %swap3A_91 = vector.shape_cast %swap3A_90 : vector<16xf32> to vector<16xf32>
      %swap3A_92 = vector.shape_cast %broadcast_in_dim3A_3 : vector<16xf32> to vector<16xf32>
      tpu.vector_store %arg8[%swap3A_89], %swap3A_92 {strides = array<i32>} : memref<32768xf32, #tpu.memory_space<vmem>>, vector<16xf32>,
      %mul3A_93 = arith.constant 128 : i32
      %mul3A_94 = arith.muli %scan3A_53, %mul3A_93 : i32
      %add3A_95 = arith.constant 80 : i32
      %add3A_96 = arith.addi %mul3A_94, %add3A_95 : i32
      %swap3A_97 = arith.index_cast %add3A_96 : i32 to index
      %swap3A_98 = tpu.vector_load %arg8[%swap3A_97] {strides = array<i32>} : memref<32768xf32, #tpu.memory_space<vmem>>, vector<16xf32>,
      %swap3A_99 = vector.shape_cast %swap3A_98 : vector<16xf32> to vector<16xf32>
      %swap3A_100 = vector.shape_cast %broadcast_in_dim3A_3 : vector<16xf32> to vector<16xf32>
      tpu.vector_store %arg8[%swap3A_97], %swap3A_100 {strides = array<i32>} : memref<32768xf32, #tpu.memory_space<vmem>>, vector<16xf32>,
      %mul3A_101 = arith.constant 128 : i32
      %mul3A_102 = arith.muli %scan3A_53, %mul3A_101 : i32
      %add3A_103 = arith.constant 96 : i32
      %add3A_104 = arith.addi %mul3A_102, %add3A_103 : i32
      %swap3A_105 = arith.index_cast %add3A_104 : i32 to index
      %swap3A_106 = tpu.vector_load %arg8[%swap3A_105] {strides = array<i32>} : memref<32768xf32, #tpu.memory_space<vmem>>, vector<16xf32>,
      %swap3A_107 = vector.shape_cast %swap3A_106 : vector<16xf32> to vector<16xf32>
      %swap3A_108 = vector.shape_cast %broadcast_in_dim3A_3 : vector<16xf32> to vector<16xf32>
      tpu.vector_store %arg8[%swap3A_105], %swap3A_108 {strides = array<i32>} : memref<32768xf32, #tpu.memory_space<vmem>>, vector<16xf32>,
      %mul3A_109 = arith.constant 128 : i32
      %mul3A_110 = arith.muli %scan3A_53, %mul3A_109 : i32
      %add3A_111 = arith.constant 112 : i32
      %add3A_112 = arith.addi %mul3A_110, %add3A_111 : i32
      %swap3A_113 = arith.index_cast %add3A_112 : i32 to index
      %swap3A_114 = tpu.vector_load %arg8[%swap3A_113] {strides = array<i32>} : memref<32768xf32, #tpu.memory_space<vmem>>, vector<16xf32>,
      %swap3A_115 = vector.shape_cast %swap3A_114 : vector<16xf32> to vector<16xf32>
      %swap3A_116 = vector.shape_cast %broadcast_in_dim3A_3 : vector<16xf32> to vector<16xf32>
      tpu.vector_store %arg8[%swap3A_113], %swap3A_116 {strides = array<i32>} : memref<32768xf32, #tpu.memory_space<vmem>>, vector<16xf32>,
    }
    %scan3A_8 = arith.constant 256 : i32
    %dma_start3A = arith.constant 0 : i32
    %dma_start3A_9 = arith.constant 0 : i32
    %dma_start3A_10 = tpu.memref_slice %arg5[%dma_start3A, %dma_start3A_9] : memref<26x512xi32, #tpu.memory_space<vmem>> -> memref<1x512xi32, #tpu.memory_space<vmem>>
    %dma_start3A_11 = tpu.memref_squeeze %dma_start3A_10 : memref<1x512xi32, #tpu.memory_space<vmem>> -> memref<512xi32, #tpu.memory_space<vmem>>
    %dma_start3A_12 = arith.constant 0 : i32
    %dma_start3A_13 = arith.constant 0 : i32
    %dma_start3A_14 = tpu.memref_slice %arg2[%dma_start3A_12, %dma_start3A_13] : memref<2662400x64xf32, #tpu.memory_space<hbm>> -> memref<2662400x64xf32, #tpu.memory_space<hbm>>
    tpu.enqueue_indirect_dma source(%dma_start3A_14 : memref<2662400x64xf32, #tpu.memory_space<hbm>>) target(%arg6 : memref<512x64xf32, #tpu.memory_space<vmem>>) offsets(%dma_start3A_11 : memref<512xi32, #tpu.memory_space<vmem>>) semaphore(%arg9 : memref<!tpu.dma_semaphore, #tpu.memory_space<semaphore_mem>>)
    %dma_start3A_15 = arith.constant 1 : i32
    %dma_start3A_16 = arith.constant 0 : i32
    %dma_start3A_17 = tpu.memref_slice %arg5[%dma_start3A_15, %dma_start3A_16] : memref<26x512xi32, #tpu.memory_space<vmem>> -> memref<1x512xi32, #tpu.memory_space<vmem>>
    %dma_start3A_18 = tpu.memref_squeeze %dma_start3A_17 : memref<1x512xi32, #tpu.memory_space<vmem>> -> memref<512xi32, #tpu.memory_space<vmem>>
    %dma_start3A_19 = arith.constant 0 : i32
    %dma_start3A_20 = arith.constant 0 : i32
    %dma_start3A_21 = tpu.memref_slice %arg2[%dma_start3A_19, %dma_start3A_20] : memref<2662400x64xf32, #tpu.memory_space<hbm>> -> memref<2662400x64xf32, #tpu.memory_space<hbm>>
    tpu.enqueue_indirect_dma source(%dma_start3A_21 : memref<2662400x64xf32, #tpu.memory_space<hbm>>) target(%arg7 : memref<512x64xf32, #tpu.memory_space<vmem>>) offsets(%dma_start3A_18 : memref<512xi32, #tpu.memory_space<vmem>>) semaphore(%arg10 : memref<!tpu.dma_semaphore, #tpu.memory_space<semaphore_mem>>)
    %scan3A_22 = arith.constant 0 : i32
    %scan3A_23 = arith.constant 0 : i32
    %scan3A_24 = arith.constant 12 : i32
    %scan3A_25 = arith.addi %scan3A_23, %scan3A_24 : i32
    %scan3A_26 = arith.constant 1 : i32
    scf.for %scan3A_53 = %scan3A_23 to %scan3A_25 step %scan3A_26  : i32 {
      %mul3A_54 = arith.constant 2 : i32
      %mul3A_55 = arith.muli %scan3A_53, %mul3A_54 : i32
      %dma_wait3A_56 = arith.constant 0 : i32
      %dma_wait3A_57 = arith.constant 0 : i32
      %dma_wait3A_58 = tpu.memref_slice %arg2[%dma_wait3A_56, %dma_wait3A_57] : memref<2662400x64xf32, #tpu.memory_space<hbm>> -> memref<512x64xf32, #tpu.memory_space<hbm>>
      %dma_wait3A_59 = arith.constant 0 : i32
      %dma_wait3A_60 = arith.constant 0 : i32
      %dma_wait3A_61 = tpu.memref_slice %arg2[%dma_wait3A_59, %dma_wait3A_60] : memref<2662400x64xf32, #tpu.memory_space<hbm>> -> memref<512x64xf32, #tpu.memory_space<hbm>>
      tpu.wait_dma2 semaphore(%arg9 : memref<!tpu.dma_semaphore, #tpu.memory_space<semaphore_mem>>) src(%dma_wait3A_61 : memref<512x64xf32, #tpu.memory_space<hbm>>) dst(%arg6 : memref<512x64xf32, #tpu.memory_space<vmem>>)
      %dma_wait3A_62 = arith.constant 0 : i32
      %dma_wait3A_63 = arith.constant 0 : i32
      %dma_wait3A_64 = tpu.memref_slice %arg2[%dma_wait3A_62, %dma_wait3A_63] : memref<2662400x64xf32, #tpu.memory_space<hbm>> -> memref<512x64xf32, #tpu.memory_space<hbm>>
      %dma_wait3A_65 = arith.constant 0 : i32
      %dma_wait3A_66 = arith.constant 0 : i32
      %dma_wait3A_67 = tpu.memref_slice %arg2[%dma_wait3A_65, %dma_wait3A_66] : memref<2662400x64xf32, #tpu.memory_space<hbm>> -> memref<512x64xf32, #tpu.memory_space<hbm>>
      tpu.wait_dma2 semaphore(%arg10 : memref<!tpu.dma_semaphore, #tpu.memory_space<semaphore_mem>>) src(%dma_wait3A_67 : memref<512x64xf32, #tpu.memory_space<hbm>>) dst(%arg7 : memref<512x64xf32, #tpu.memory_space<vmem>>)
      %scan3A_68 = arith.constant 0 : i32
      %scan3A_69 = arith.constant 0 : i32
      %scan3A_70 = arith.constant 128 : i32
      %scan3A_71 = arith.addi %scan3A_69, %scan3A_70 : i32
      %scan3A_72 = arith.constant 1 : i32
      scf.for %scan3A_90 = %scan3A_69 to %scan3A_71 step %scan3A_72  : i32 {
        %mul3A_91 = arith.constant 4 : i32
        %mul3A_92 = arith.muli %scan3A_90, %mul3A_91 : i32
        %add3A_93 = arith.constant 0 : i32
        %add3A_94 = arith.addi %mul3A_92, %add3A_93 : i32
        %mul3A_95 = arith.constant 64 : i32
        %mul3A_96 = arith.muli %add3A_94, %mul3A_95 : i32
        %add3A_97 = arith.constant 0 : i32
        %add3A_98 = arith.addi %mul3A_96, %add3A_97 : i32
        %get3A = arith.index_cast %add3A_94 : i32 to index
        %get3A_99 = arith.constant 0 : index
        %get3A_100 = tpu.vector_load %arg6[%get3A, %get3A_99] {strides = array<i32>} : memref<512x64xf32, #tpu.memory_space<vmem>>, vector<1x16xf32>,
        %get3A_101 = vector.shape_cast %get3A_100 : vector<1x16xf32> to vector<16xf32>
        %get3A_102 = arith.index_cast %add3A_94 : i32 to index
        %get3A_103 = arith.constant 0 : index
        %get3A_104 = tpu.vector_load %arg7[%get3A_102, %get3A_103] {strides = array<i32>} : memref<512x64xf32, #tpu.memory_space<vmem>>, vector<1x16xf32>,
        %get3A_105 = vector.shape_cast %get3A_104 : vector<1x16xf32> to vector<16xf32>
        %add3A_106 = arith.addf %get3A_101, %get3A_105 : vector<16xf32>
        %swap3A = arith.index_cast %add3A_98 : i32 to index
        %swap3A_107 = tpu.vector_load %arg8[%swap3A] {strides = array<i32>} : memref<32768xf32, #tpu.memory_space<vmem>>, vector<16xf32>,
        %swap3A_108 = vector.shape_cast %swap3A_107 : vector<16xf32> to vector<16xf32>
        %swap3A_109 = vector.shape_cast %add3A_106 : vector<16xf32> to vector<16xf32>
        tpu.vector_store %arg8[%swap3A], %swap3A_109 {add = true, strides = array<i32>} : memref<32768xf32, #tpu.memory_space<vmem>>, vector<16xf32>,
        %mul3A_110 = arith.constant 64 : i32
        %mul3A_111 = arith.muli %add3A_94, %mul3A_110 : i32
        %add3A_112 = arith.constant 16 : i32
        %add3A_113 = arith.addi %mul3A_111, %add3A_112 : i32
        %get3A_114 = arith.index_cast %add3A_94 : i32 to index
        %get3A_115 = arith.constant 16 : index
        %get3A_116 = tpu.vector_load %arg6[%get3A_114, %get3A_115] {strides = array<i32>} : memref<512x64xf32, #tpu.memory_space<vmem>>, vector<1x16xf32>,
        %get3A_117 = vector.shape_cast %get3A_116 : vector<1x16xf32> to vector<16xf32>
        %get3A_118 = arith.index_cast %add3A_94 : i32 to index
        %get3A_119 = arith.constant 16 : index
        %get3A_120 = tpu.vector_load %arg7[%get3A_118, %get3A_119] {strides = array<i32>} : memref<512x64xf32, #tpu.memory_space<vmem>>, vector<1x16xf32>,
        %get3A_121 = vector.shape_cast %get3A_120 : vector<1x16xf32> to vector<16xf32>
        %add3A_122 = arith.addf %get3A_117, %get3A_121 : vector<16xf32>
        %swap3A_123 = arith.index_cast %add3A_113 : i32 to index
        %swap3A_124 = tpu.vector_load %arg8[%swap3A_123] {strides = array<i32>} : memref<32768xf32, #tpu.memory_space<vmem>>, vector<16xf32>,
        %swap3A_125 = vector.shape_cast %swap3A_124 : vector<16xf32> to vector<16xf32>
        %swap3A_126 = vector.shape_cast %add3A_122 : vector<16xf32> to vector<16xf32>
        tpu.vector_store %arg8[%swap3A_123], %swap3A_126 {add = true, strides = array<i32>} : memref<32768xf32, #tpu.memory_space<vmem>>, vector<16xf32>,
        %mul3A_127 = arith.constant 64 : i32
        %mul3A_128 = arith.muli %add3A_94, %mul3A_127 : i32
        %add3A_129 = arith.constant 32 : i32
        %add3A_130 = arith.addi %mul3A_128, %add3A_129 : i32
        %get3A_131 = arith.index_cast %add3A_94 : i32 to index
        %get3A_132 = arith.constant 32 : index
        %get3A_133 = tpu.vector_load %arg6[%get3A_131, %get3A_132] {strides = array<i32>} : memref<512x64xf32, #tpu.memory_space<vmem>>, vector<1x16xf32>,
        %get3A_134 = vector.shape_cast %get3A_133 : vector<1x16xf32> to vector<16xf32>
        %get3A_135 = arith.index_cast %add3A_94 : i32 to index
        %get3A_136 = arith.constant 32 : index
        %get3A_137 = tpu.vector_load %arg7[%get3A_135, %get3A_136] {strides = array<i32>} : memref<512x64xf32, #tpu.memory_space<vmem>>, vector<1x16xf32>,
        %get3A_138 = vector.shape_cast %get3A_137 : vector<1x16xf32> to vector<16xf32>
        %add3A_139 = arith.addf %get3A_134, %get3A_138 : vector<16xf32>
        %swap3A_140 = arith.index_cast %add3A_130 : i32 to index
        %swap3A_141 = tpu.vector_load %arg8[%swap3A_140] {strides = array<i32>} : memref<32768xf32, #tpu.memory_space<vmem>>, vector<16xf32>,
        %swap3A_142 = vector.shape_cast %swap3A_141 : vector<16xf32> to vector<16xf32>
        %swap3A_143 = vector.shape_cast %add3A_139 : vector<16xf32> to vector<16xf32>
        tpu.vector_store %arg8[%swap3A_140], %swap3A_143 {add = true, strides = array<i32>} : memref<32768xf32, #tpu.memory_space<vmem>>, vector<16xf32>,
        %mul3A_144 = arith.constant 64 : i32
        %mul3A_145 = arith.muli %add3A_94, %mul3A_144 : i32
        %add3A_146 = arith.constant 48 : i32
        %add3A_147 = arith.addi %mul3A_145, %add3A_146 : i32
        %get3A_148 = arith.index_cast %add3A_94 : i32 to index
        %get3A_149 = arith.constant 48 : index
        %get3A_150 = tpu.vector_load %arg6[%get3A_148, %get3A_149] {strides = array<i32>} : memref<512x64xf32, #tpu.memory_space<vmem>>, vector<1x16xf32>,
        %get3A_151 = vector.shape_cast %get3A_150 : vector<1x16xf32> to vector<16xf32>
        %get3A_152 = arith.index_cast %add3A_94 : i32 to index
        %get3A_153 = arith.constant 48 : index
        %get3A_154 = tpu.vector_load %arg7[%get3A_152, %get3A_153] {strides = array<i32>} : memref<512x64xf32, #tpu.memory_space<vmem>>, vector<1x16xf32>,
        %get3A_155 = vector.shape_cast %get3A_154 : vector<1x16xf32> to vector<16xf32>
        %add3A_156 = arith.addf %get3A_151, %get3A_155 : vector<16xf32>
        %swap3A_157 = arith.index_cast %add3A_147 : i32 to index
        %swap3A_158 = tpu.vector_load %arg8[%swap3A_157] {strides = array<i32>} : memref<32768xf32, #tpu.memory_space<vmem>>, vector<16xf32>,
        %swap3A_159 = vector.shape_cast %swap3A_158 : vector<16xf32> to vector<16xf32>
        %swap3A_160 = vector.shape_cast %add3A_156 : vector<16xf32> to vector<16xf32>
        tpu.vector_store %arg8[%swap3A_157], %swap3A_160 {add = true, strides = array<i32>} : memref<32768xf32, #tpu.memory_space<vmem>>, vector<16xf32>,
        %mul3A_161 = arith.constant 4 : i32
        %mul3A_162 = arith.muli %scan3A_90, %mul3A_161 : i32
        %add3A_163 = arith.constant 1 : i32
        %add3A_164 = arith.addi %mul3A_162, %add3A_163 : i32
        %mul3A_165 = arith.constant 64 : i32
        %mul3A_166 = arith.muli %add3A_164, %mul3A_165 : i32
        %add3A_167 = arith.constant 0 : i32
        %add3A_168 = arith.addi %mul3A_166, %add3A_167 : i32
        %get3A_169 = arith.index_cast %add3A_164 : i32 to index
        %get3A_170 = arith.constant 0 : index
        %get3A_171 = tpu.vector_load %arg6[%get3A_169, %get3A_170] {strides = array<i32>} : memref<512x64xf32, #tpu.memory_space<vmem>>, vector<1x16xf32>,
        %get3A_172 = vector.shape_cast %get3A_171 : vector<1x16xf32> to vector<16xf32>
        %get3A_173 = arith.index_cast %add3A_164 : i32 to index
        %get3A_174 = arith.constant 0 : index
        %get3A_175 = tpu.vector_load %arg7[%get3A_173, %get3A_174] {strides = array<i32>} : memref<512x64xf32, #tpu.memory_space<vmem>>, vector<1x16xf32>,
        %get3A_176 = vector.shape_cast %get3A_175 : vector<1x16xf32> to vector<16xf32>
        %add3A_177 = arith.addf %get3A_172, %get3A_176 : vector<16xf32>
        %swap3A_178 = arith.index_cast %add3A_168 : i32 to index
        %swap3A_179 = tpu.vector_load %arg8[%swap3A_178] {strides = array<i32>} : memref<32768xf32, #tpu.memory_space<vmem>>, vector<16xf32>,
        %swap3A_180 = vector.shape_cast %swap3A_179 : vector<16xf32> to vector<16xf32>
        %swap3A_181 = vector.shape_cast %add3A_177 : vector<16xf32> to vector<16xf32>
        tpu.vector_store %arg8[%swap3A_178], %swap3A_181 {add = true, strides = array<i32>} : memref<32768xf32, #tpu.memory_space<vmem>>, vector<16xf32>,
        %mul3A_182 = arith.constant 64 : i32
        %mul3A_183 = arith.muli %add3A_164, %mul3A_182 : i32
        %add3A_184 = arith.constant 16 : i32
        %add3A_185 = arith.addi %mul3A_183, %add3A_184 : i32
        %get3A_186 = arith.index_cast %add3A_164 : i32 to index
        %get3A_187 = arith.constant 16 : index
        %get3A_188 = tpu.vector_load %arg6[%get3A_186, %get3A_187] {strides = array<i32>} : memref<512x64xf32, #tpu.memory_space<vmem>>, vector<1x16xf32>,
        %get3A_189 = vector.shape_cast %get3A_188 : vector<1x16xf32> to vector<16xf32>
        %get3A_190 = arith.index_cast %add3A_164 : i32 to index
        %get3A_191 = arith.constant 16 : index
        %get3A_192 = tpu.vector_load %arg7[%get3A_190, %get3A_191] {strides = array<i32>} : memref<512x64xf32, #tpu.memory_space<vmem>>, vector<1x16xf32>,
        %get3A_193 = vector.shape_cast %get3A_192 : vector<1x16xf32> to vector<16xf32>
        %add3A_194 = arith.addf %get3A_189, %get3A_193 : vector<16xf32>
        %swap3A_195 = arith.index_cast %add3A_185 : i32 to index
        %swap3A_196 = tpu.vector_load %arg8[%swap3A_195] {strides = array<i32>} : memref<32768xf32, #tpu.memory_space<vmem>>, vector<16xf32>,
        %swap3A_197 = vector.shape_cast %swap3A_196 : vector<16xf32> to vector<16xf32>
        %swap3A_198 = vector.shape_cast %add3A_194 : vector<16xf32> to vector<16xf32>
        tpu.vector_store %arg8[%swap3A_195], %swap3A_198 {add = true, strides = array<i32>} : memref<32768xf32, #tpu.memory_space<vmem>>, vector<16xf32>,
        %mul3A_199 = arith.constant 64 : i32
        %mul3A_200 = arith.muli %add3A_164, %mul3A_199 : i32
        %add3A_201 = arith.constant 32 : i32
        %add3A_202 = arith.addi %mul3A_200, %add3A_201 : i32
        %get3A_203 = arith.index_cast %add3A_164 : i32 to index
        %get3A_204 = arith.constant 32 : index
        %get3A_205 = tpu.vector_load %arg6[%get3A_203, %get3A_204] {strides = array<i32>} : memref<512x64xf32, #tpu.memory_space<vmem>>, vector<1x16xf32>,
        %get3A_206 = vector.shape_cast %get3A_205 : vector<1x16xf32> to vector<16xf32>
        %get3A_207 = arith.index_cast %add3A_164 : i32 to index
        %get3A_208 = arith.constant 32 : index
        %get3A_209 = tpu.vector_load %arg7[%get3A_207, %get3A_208] {strides = array<i32>} : memref<512x64xf32, #tpu.memory_space<vmem>>, vector<1x16xf32>,
        %get3A_210 = vector.shape_cast %get3A_209 : vector<1x16xf32> to vector<16xf32>
        %add3A_211 = arith.addf %get3A_206, %get3A_210 : vector<16xf32>
        %swap3A_212 = arith.index_cast %add3A_202 : i32 to index
        %swap3A_213 = tpu.vector_load %arg8[%swap3A_212] {strides = array<i32>} : memref<32768xf32, #tpu.memory_space<vmem>>, vector<16xf32>,
        %swap3A_214 = vector.shape_cast %swap3A_213 : vector<16xf32> to vector<16xf32>
        %swap3A_215 = vector.shape_cast %add3A_211 : vector<16xf32> to vector<16xf32>
        tpu.vector_store %arg8[%swap3A_212], %swap3A_215 {add = true, strides = array<i32>} : memref<32768xf32, #tpu.memory_space<vmem>>, vector<16xf32>,
        %mul3A_216 = arith.constant 64 : i32
        %mul3A_217 = arith.muli %add3A_164, %mul3A_216 : i32
        %add3A_218 = arith.constant 48 : i32
        %add3A_219 = arith.addi %mul3A_217, %add3A_218 : i32
        %get3A_220 = arith.index_cast %add3A_164 : i32 to index
        %get3A_221 = arith.constant 48 : index
        %get3A_222 = tpu.vector_load %arg6[%get3A_220, %get3A_221] {strides = array<i32>} : memref<512x64xf32, #tpu.memory_space<vmem>>, vector<1x16xf32>,
        %get3A_223 = vector.shape_cast %get3A_222 : vector<1x16xf32> to vector<16xf32>
        %get3A_224 = arith.index_cast %add3A_164 : i32 to index
        %get3A_225 = arith.constant 48 : index
        %get3A_226 = tpu.vector_load %arg7[%get3A_224, %get3A_225] {strides = array<i32>} : memref<512x64xf32, #tpu.memory_space<vmem>>, vector<1x16xf32>,
        %get3A_227 = vector.shape_cast %get3A_226 : vector<1x16xf32> to vector<16xf32>
        %add3A_228 = arith.addf %get3A_223, %get3A_227 : vector<16xf32>
        %swap3A_229 = arith.index_cast %add3A_219 : i32 to index
        %swap3A_230 = tpu.vector_load %arg8[%swap3A_229] {strides = array<i32>} : memref<32768xf32, #tpu.memory_space<vmem>>, vector<16xf32>,
        %swap3A_231 = vector.shape_cast %swap3A_230 : vector<16xf32> to vector<16xf32>
        %swap3A_232 = vector.shape_cast %add3A_228 : vector<16xf32> to vector<16xf32>
        tpu.vector_store %arg8[%swap3A_229], %swap3A_232 {add = true, strides = array<i32>} : memref<32768xf32, #tpu.memory_space<vmem>>, vector<16xf32>,
        %mul3A_233 = arith.constant 4 : i32
        %mul3A_234 = arith.muli %scan3A_90, %mul3A_233 : i32
        %add3A_235 = arith.constant 2 : i32
        %add3A_236 = arith.addi %mul3A_234, %add3A_235 : i32
        %mul3A_237 = arith.constant 64 : i32
        %mul3A_238 = arith.muli %add3A_236, %mul3A_237 : i32
        %add3A_239 = arith.constant 0 : i32
        %add3A_240 = arith.addi %mul3A_238, %add3A_239 : i32
        %get3A_241 = arith.index_cast %add3A_236 : i32 to index
        %get3A_242 = arith.constant 0 : index
        %get3A_243 = tpu.vector_load %arg6[%get3A_241, %get3A_242] {strides = array<i32>} : memref<512x64xf32, #tpu.memory_space<vmem>>, vector<1x16xf32>,
        %get3A_244 = vector.shape_cast %get3A_243 : vector<1x16xf32> to vector<16xf32>
        %get3A_245 = arith.index_cast %add3A_236 : i32 to index
        %get3A_246 = arith.constant 0 : index
        %get3A_247 = tpu.vector_load %arg7[%get3A_245, %get3A_246] {strides = array<i32>} : memref<512x64xf32, #tpu.memory_space<vmem>>, vector<1x16xf32>,
        %get3A_248 = vector.shape_cast %get3A_247 : vector<1x16xf32> to vector<16xf32>
        %add3A_249 = arith.addf %get3A_244, %get3A_248 : vector<16xf32>
        %swap3A_250 = arith.index_cast %add3A_240 : i32 to index
        %swap3A_251 = tpu.vector_load %arg8[%swap3A_250] {strides = array<i32>} : memref<32768xf32, #tpu.memory_space<vmem>>, vector<16xf32>,
        %swap3A_252 = vector.shape_cast %swap3A_251 : vector<16xf32> to vector<16xf32>
        %swap3A_253 = vector.shape_cast %add3A_249 : vector<16xf32> to vector<16xf32>
        tpu.vector_store %arg8[%swap3A_250], %swap3A_253 {add = true, strides = array<i32>} : memref<32768xf32, #tpu.memory_space<vmem>>, vector<16xf32>,
        %mul3A_254 = arith.constant 64 : i32
        %mul3A_255 = arith.muli %add3A_236, %mul3A_254 : i32
        %add3A_256 = arith.constant 16 : i32
        %add3A_257 = arith.addi %mul3A_255, %add3A_256 : i32
        %get3A_258 = arith.index_cast %add3A_236 : i32 to index
        %get3A_259 = arith.constant 16 : index
        %get3A_260 = tpu.vector_load %arg6[%get3A_258, %get3A_259] {strides = array<i32>} : memref<512x64xf32, #tpu.memory_space<vmem>>, vector<1x16xf32>,
        %get3A_261 = vector.shape_cast %get3A_260 : vector<1x16xf32> to vector<16xf32>
        %get3A_262 = arith.index_cast %add3A_236 : i32 to index
        %get3A_263 = arith.constant 16 : index
        %get3A_264 = tpu.vector_load %arg7[%get3A_262, %get3A_263] {strides = array<i32>} : memref<512x64xf32, #tpu.memory_space<vmem>>, vector<1x16xf32>,
        %get3A_265 = vector.shape_cast %get3A_264 : vector<1x16xf32> to vector<16xf32>
        %add3A_266 = arith.addf %get3A_261, %get3A_265 : vector<16xf32>
        %swap3A_267 = arith.index_cast %add3A_257 : i32 to index
        %swap3A_268 = tpu.vector_load %arg8[%swap3A_267] {strides = array<i32>} : memref<32768xf32, #tpu.memory_space<vmem>>, vector<16xf32>,
        %swap3A_269 = vector.shape_cast %swap3A_268 : vector<16xf32> to vector<16xf32>
        %swap3A_270 = vector.shape_cast %add3A_266 : vector<16xf32> to vector<16xf32>
        tpu.vector_store %arg8[%swap3A_267], %swap3A_270 {add = true, strides = array<i32>} : memref<32768xf32, #tpu.memory_space<vmem>>, vector<16xf32>,
        %mul3A_271 = arith.constant 64 : i32
        %mul3A_272 = arith.muli %add3A_236, %mul3A_271 : i32
        %add3A_273 = arith.constant 32 : i32
        %add3A_274 = arith.addi %mul3A_272, %add3A_273 : i32
        %get3A_275 = arith.index_cast %add3A_236 : i32 to index
        %get3A_276 = arith.constant 32 : index
        %get3A_277 = tpu.vector_load %arg6[%get3A_275, %get3A_276] {strides = array<i32>} : memref<512x64xf32, #tpu.memory_space<vmem>>, vector<1x16xf32>,
        %get3A_278 = vector.shape_cast %get3A_277 : vector<1x16xf32> to vector<16xf32>
        %get3A_279 = arith.index_cast %add3A_236 : i32 to index
        %get3A_280 = arith.constant 32 : index
        %get3A_281 = tpu.vector_load %arg7[%get3A_279, %get3A_280] {strides = array<i32>} : memref<512x64xf32, #tpu.memory_space<vmem>>, vector<1x16xf32>,
        %get3A_282 = vector.shape_cast %get3A_281 : vector<1x16xf32> to vector<16xf32>
        %add3A_283 = arith.addf %get3A_278, %get3A_282 : vector<16xf32>
        %swap3A_284 = arith.index_cast %add3A_274 : i32 to index
        %swap3A_285 = tpu.vector_load %arg8[%swap3A_284] {strides = array<i32>} : memref<32768xf32, #tpu.memory_space<vmem>>, vector<16xf32>,
        %swap3A_286 = vector.shape_cast %swap3A_285 : vector<16xf32> to vector<16xf32>
        %swap3A_287 = vector.shape_cast %add3A_283 : vector<16xf32> to vector<16xf32>
        tpu.vector_store %arg8[%swap3A_284], %swap3A_287 {add = true, strides = array<i32>} : memref<32768xf32, #tpu.memory_space<vmem>>, vector<16xf32>,
        %mul3A_288 = arith.constant 64 : i32
        %mul3A_289 = arith.muli %add3A_236, %mul3A_288 : i32
        %add3A_290 = arith.constant 48 : i32
        %add3A_291 = arith.addi %mul3A_289, %add3A_290 : i32
        %get3A_292 = arith.index_cast %add3A_236 : i32 to index
        %get3A_293 = arith.constant 48 : index
        %get3A_294 = tpu.vector_load %arg6[%get3A_292, %get3A_293] {strides = array<i32>} : memref<512x64xf32, #tpu.memory_space<vmem>>, vector<1x16xf32>,
        %get3A_295 = vector.shape_cast %get3A_294 : vector<1x16xf32> to vector<16xf32>
        %get3A_296 = arith.index_cast %add3A_236 : i32 to index
        %get3A_297 = arith.constant 48 : index
        %get3A_298 = tpu.vector_load %arg7[%get3A_296, %get3A_297] {strides = array<i32>} : memref<512x64xf32, #tpu.memory_space<vmem>>, vector<1x16xf32>,
        %get3A_299 = vector.shape_cast %get3A_298 : vector<1x16xf32> to vector<16xf32>
        %add3A_300 = arith.addf %get3A_295, %get3A_299 : vector<16xf32>
        %swap3A_301 = arith.index_cast %add3A_291 : i32 to index
        %swap3A_302 = tpu.vector_load %arg8[%swap3A_301] {strides = array<i32>} : memref<32768xf32, #tpu.memory_space<vmem>>, vector<16xf32>,
        %swap3A_303 = vector.shape_cast %swap3A_302 : vector<16xf32> to vector<16xf32>
        %swap3A_304 = vector.shape_cast %add3A_300 : vector<16xf32> to vector<16xf32>
        tpu.vector_store %arg8[%swap3A_301], %swap3A_304 {add = true, strides = array<i32>} : memref<32768xf32, #tpu.memory_space<vmem>>, vector<16xf32>,
        %mul3A_305 = arith.constant 4 : i32
        %mul3A_306 = arith.muli %scan3A_90, %mul3A_305 : i32
        %add3A_307 = arith.constant 3 : i32
        %add3A_308 = arith.addi %mul3A_306, %add3A_307 : i32
        %mul3A_309 = arith.constant 64 : i32
        %mul3A_310 = arith.muli %add3A_308, %mul3A_309 : i32
        %add3A_311 = arith.constant 0 : i32
        %add3A_312 = arith.addi %mul3A_310, %add3A_311 : i32
        %get3A_313 = arith.index_cast %add3A_308 : i32 to index
        %get3A_314 = arith.constant 0 : index
        %get3A_315 = tpu.vector_load %arg6[%get3A_313, %get3A_314] {strides = array<i32>} : memref<512x64xf32, #tpu.memory_space<vmem>>, vector<1x16xf32>,
        %get3A_316 = vector.shape_cast %get3A_315 : vector<1x16xf32> to vector<16xf32>
        %get3A_317 = arith.index_cast %add3A_308 : i32 to index
        %get3A_318 = arith.constant 0 : index
        %get3A_319 = tpu.vector_load %arg7[%get3A_317, %get3A_318] {strides = array<i32>} : memref<512x64xf32, #tpu.memory_space<vmem>>, vector<1x16xf32>,
        %get3A_320 = vector.shape_cast %get3A_319 : vector<1x16xf32> to vector<16xf32>
        %add3A_321 = arith.addf %get3A_316, %get3A_320 : vector<16xf32>
        %swap3A_322 = arith.index_cast %add3A_312 : i32 to index
        %swap3A_323 = tpu.vector_load %arg8[%swap3A_322] {strides = array<i32>} : memref<32768xf32, #tpu.memory_space<vmem>>, vector<16xf32>,
        %swap3A_324 = vector.shape_cast %swap3A_323 : vector<16xf32> to vector<16xf32>
        %swap3A_325 = vector.shape_cast %add3A_321 : vector<16xf32> to vector<16xf32>
        tpu.vector_store %arg8[%swap3A_322], %swap3A_325 {add = true, strides = array<i32>} : memref<32768xf32, #tpu.memory_space<vmem>>, vector<16xf32>,
        %mul3A_326 = arith.constant 64 : i32
        %mul3A_327 = arith.muli %add3A_308, %mul3A_326 : i32
        %add3A_328 = arith.constant 16 : i32
        %add3A_329 = arith.addi %mul3A_327, %add3A_328 : i32
        %get3A_330 = arith.index_cast %add3A_308 : i32 to index
        %get3A_331 = arith.constant 16 : index
        %get3A_332 = tpu.vector_load %arg6[%get3A_330, %get3A_331] {strides = array<i32>} : memref<512x64xf32, #tpu.memory_space<vmem>>, vector<1x16xf32>,
        %get3A_333 = vector.shape_cast %get3A_332 : vector<1x16xf32> to vector<16xf32>
        %get3A_334 = arith.index_cast %add3A_308 : i32 to index
        %get3A_335 = arith.constant 16 : index
        %get3A_336 = tpu.vector_load %arg7[%get3A_334, %get3A_335] {strides = array<i32>} : memref<512x64xf32, #tpu.memory_space<vmem>>, vector<1x16xf32>,
        %get3A_337 = vector.shape_cast %get3A_336 : vector<1x16xf32> to vector<16xf32>
        %add3A_338 = arith.addf %get3A_333, %get3A_337 : vector<16xf32>
        %swap3A_339 = arith.index_cast %add3A_329 : i32 to index
        %swap3A_340 = tpu.vector_load %arg8[%swap3A_339] {strides = array<i32>} : memref<32768xf32, #tpu.memory_space<vmem>>, vector<16xf32>,
        %swap3A_341 = vector.shape_cast %swap3A_340 : vector<16xf32> to vector<16xf32>
        %swap3A_342 = vector.shape_cast %add3A_338 : vector<16xf32> to vector<16xf32>
        tpu.vector_store %arg8[%swap3A_339], %swap3A_342 {add = true, strides = array<i32>} : memref<32768xf32, #tpu.memory_space<vmem>>, vector<16xf32>,
        %mul3A_343 = arith.constant 64 : i32
        %mul3A_344 = arith.muli %add3A_308, %mul3A_343 : i32
        %add3A_345 = arith.constant 32 : i32
        %add3A_346 = arith.addi %mul3A_344, %add3A_345 : i32
        %get3A_347 = arith.index_cast %add3A_308 : i32 to index
        %get3A_348 = arith.constant 32 : index
        %get3A_349 = tpu.vector_load %arg6[%get3A_347, %get3A_348] {strides = array<i32>} : memref<512x64xf32, #tpu.memory_space<vmem>>, vector<1x16xf32>,
        %get3A_350 = vector.shape_cast %get3A_349 : vector<1x16xf32> to vector<16xf32>
        %get3A_351 = arith.index_cast %add3A_308 : i32 to index
        %get3A_352 = arith.constant 32 : index
        %get3A_353 = tpu.vector_load %arg7[%get3A_351, %get3A_352] {strides = array<i32>} : memref<512x64xf32, #tpu.memory_space<vmem>>, vector<1x16xf32>,
        %get3A_354 = vector.shape_cast %get3A_353 : vector<1x16xf32> to vector<16xf32>
        %add3A_355 = arith.addf %get3A_350, %get3A_354 : vector<16xf32>
        %swap3A_356 = arith.index_cast %add3A_346 : i32 to index
        %swap3A_357 = tpu.vector_load %arg8[%swap3A_356] {strides = array<i32>} : memref<32768xf32, #tpu.memory_space<vmem>>, vector<16xf32>,
        %swap3A_358 = vector.shape_cast %swap3A_357 : vector<16xf32> to vector<16xf32>
        %swap3A_359 = vector.shape_cast %add3A_355 : vector<16xf32> to vector<16xf32>
        tpu.vector_store %arg8[%swap3A_356], %swap3A_359 {add = true, strides = array<i32>} : memref<32768xf32, #tpu.memory_space<vmem>>, vector<16xf32>,
        %mul3A_360 = arith.constant 64 : i32
        %mul3A_361 = arith.muli %add3A_308, %mul3A_360 : i32
        %add3A_362 = arith.constant 48 : i32
        %add3A_363 = arith.addi %mul3A_361, %add3A_362 : i32
        %get3A_364 = arith.index_cast %add3A_308 : i32 to index
        %get3A_365 = arith.constant 48 : index
        %get3A_366 = tpu.vector_load %arg6[%get3A_364, %get3A_365] {strides = array<i32>} : memref<512x64xf32, #tpu.memory_space<vmem>>, vector<1x16xf32>,
        %get3A_367 = vector.shape_cast %get3A_366 : vector<1x16xf32> to vector<16xf32>
        %get3A_368 = arith.index_cast %add3A_308 : i32 to index
        %get3A_369 = arith.constant 48 : index
        %get3A_370 = tpu.vector_load %arg7[%get3A_368, %get3A_369] {strides = array<i32>} : memref<512x64xf32, #tpu.memory_space<vmem>>, vector<1x16xf32>,
        %get3A_371 = vector.shape_cast %get3A_370 : vector<1x16xf32> to vector<16xf32>
        %add3A_372 = arith.addf %get3A_367, %get3A_371 : vector<16xf32>
        %swap3A_373 = arith.index_cast %add3A_363 : i32 to index
        %swap3A_374 = tpu.vector_load %arg8[%swap3A_373] {strides = array<i32>} : memref<32768xf32, #tpu.memory_space<vmem>>, vector<16xf32>,
        %swap3A_375 = vector.shape_cast %swap3A_374 : vector<16xf32> to vector<16xf32>
        %swap3A_376 = vector.shape_cast %add3A_372 : vector<16xf32> to vector<16xf32>
        tpu.vector_store %arg8[%swap3A_373], %swap3A_376 {add = true, strides = array<i32>} : memref<32768xf32, #tpu.memory_space<vmem>>, vector<16xf32>,
      }
      %scan3A_73 = arith.constant 128 : i32
      %add3A_74 = arith.constant 2 : i32
      %add3A_75 = arith.addi %mul3A_55, %add3A_74 : i32
      %dma_start3A_76 = arith.constant 0 : i32
      %dma_start3A_77 = tpu.memref_slice %arg5[%add3A_75, %dma_start3A_76] : memref<26x512xi32, #tpu.memory_space<vmem>> -> memref<1x512xi32, #tpu.memory_space<vmem>>
      %dma_start3A_78 = tpu.memref_squeeze %dma_start3A_77 : memref<1x512xi32, #tpu.memory_space<vmem>> -> memref<512xi32, #tpu.memory_space<vmem>>
      %dma_start3A_79 = arith.constant 0 : i32
      %dma_start3A_80 = arith.constant 0 : i32
      %dma_start3A_81 = tpu.memref_slice %arg2[%dma_start3A_79, %dma_start3A_80] : memref<2662400x64xf32, #tpu.memory_space<hbm>> -> memref<2662400x64xf32, #tpu.memory_space<hbm>>
      tpu.enqueue_indirect_dma source(%dma_start3A_81 : memref<2662400x64xf32, #tpu.memory_space<hbm>>) target(%arg6 : memref<512x64xf32, #tpu.memory_space<vmem>>) offsets(%dma_start3A_78 : memref<512xi32, #tpu.memory_space<vmem>>) semaphore(%arg9 : memref<!tpu.dma_semaphore, #tpu.memory_space<semaphore_mem>>)
      %add3A_82 = arith.constant 3 : i32
      %add3A_83 = arith.addi %mul3A_55, %add3A_82 : i32
      %dma_start3A_84 = arith.constant 0 : i32
      %dma_start3A_85 = tpu.memref_slice %arg5[%add3A_83, %dma_start3A_84] : memref<26x512xi32, #tpu.memory_space<vmem>> -> memref<1x512xi32, #tpu.memory_space<vmem>>
      %dma_start3A_86 = tpu.memref_squeeze %dma_start3A_85 : memref<1x512xi32, #tpu.memory_space<vmem>> -> memref<512xi32, #tpu.memory_space<vmem>>
      %dma_start3A_87 = arith.constant 0 : i32
      %dma_start3A_88 = arith.constant 0 : i32
      %dma_start3A_89 = tpu.memref_slice %arg2[%dma_start3A_87, %dma_start3A_88] : memref<2662400x64xf32, #tpu.memory_space<hbm>> -> memref<2662400x64xf32, #tpu.memory_space<hbm>>
      tpu.enqueue_indirect_dma source(%dma_start3A_89 : memref<2662400x64xf32, #tpu.memory_space<hbm>>) target(%arg7 : memref<512x64xf32, #tpu.memory_space<vmem>>) offsets(%dma_start3A_86 : memref<512xi32, #tpu.memory_space<vmem>>) semaphore(%arg10 : memref<!tpu.dma_semaphore, #tpu.memory_space<semaphore_mem>>)
    }
    %scan3A_27 = arith.constant 12 : i32
    %dma_wait3A = arith.constant 0 : i32
    %dma_wait3A_28 = arith.constant 0 : i32
    %dma_wait3A_29 = tpu.memref_slice %arg2[%dma_wait3A, %dma_wait3A_28] : memref<2662400x64xf32, #tpu.memory_space<hbm>> -> memref<512x64xf32, #tpu.memory_space<hbm>>
    %dma_wait3A_30 = arith.constant 0 : i32
    %dma_wait3A_31 = arith.constant 0 : i32
    %dma_wait3A_32 = tpu.memref_slice %arg2[%dma_wait3A_30, %dma_wait3A_31] : memref<2662400x64xf32, #tpu.memory_space<hbm>> -> memref<512x64xf32, #tpu.memory_space<hbm>>
    tpu.wait_dma2 semaphore(%arg9 : memref<!tpu.dma_semaphore, #tpu.memory_space<semaphore_mem>>) src(%dma_wait3A_32 : memref<512x64xf32, #tpu.memory_space<hbm>>) dst(%arg6 : memref<512x64xf32, #tpu.memory_space<vmem>>)
    %dma_wait3A_33 = arith.constant 0 : i32
    %dma_wait3A_34 = arith.constant 0 : i32
    %dma_wait3A_35 = tpu.memref_slice %arg2[%dma_wait3A_33, %dma_wait3A_34] : memref<2662400x64xf32, #tpu.memory_space<hbm>> -> memref<512x64xf32, #tpu.memory_space<hbm>>
    %dma_wait3A_36 = arith.constant 0 : i32
    %dma_wait3A_37 = arith.constant 0 : i32
    %dma_wait3A_38 = tpu.memref_slice %arg2[%dma_wait3A_36, %dma_wait3A_37] : memref<2662400x64xf32, #tpu.memory_space<hbm>> -> memref<512x64xf32, #tpu.memory_space<hbm>>
    tpu.wait_dma2 semaphore(%arg10 : memref<!tpu.dma_semaphore, #tpu.memory_space<semaphore_mem>>) src(%dma_wait3A_38 : memref<512x64xf32, #tpu.memory_space<hbm>>) dst(%arg7 : memref<512x64xf32, #tpu.memory_space<vmem>>)
    %scan3A_39 = arith.constant 0 : i32
    %scan3A_40 = arith.constant 0 : i32
    %scan3A_41 = arith.constant 128 : i32
    %scan3A_42 = arith.addi %scan3A_40, %scan3A_41 : i32
    %scan3A_43 = arith.constant 1 : i32
    scf.for %scan3A_53 = %scan3A_40 to %scan3A_42 step %scan3A_43  : i32 {
      %mul3A_54 = arith.constant 4 : i32
      %mul3A_55 = arith.muli %scan3A_53, %mul3A_54 : i32
      %add3A_56 = arith.constant 0 : i32
      %add3A_57 = arith.addi %mul3A_55, %add3A_56 : i32
      %mul3A_58 = arith.constant 64 : i32
      %mul3A_59 = arith.muli %add3A_57, %mul3A_58 : i32
      %add3A_60 = arith.constant 0 : i32
      %add3A_61 = arith.addi %mul3A_59, %add3A_60 : i32
      %get3A = arith.index_cast %add3A_57 : i32 to index
      %get3A_62 = arith.constant 0 : index
      %get3A_63 = tpu.vector_load %arg6[%get3A, %get3A_62] {strides = array<i32>} : memref<512x64xf32, #tpu.memory_space<vmem>>, vector<1x16xf32>,
      %get3A_64 = vector.shape_cast %get3A_63 : vector<1x16xf32> to vector<16xf32>
      %get3A_65 = arith.index_cast %add3A_57 : i32 to index
      %get3A_66 = arith.constant 0 : index
      %get3A_67 = tpu.vector_load %arg7[%get3A_65, %get3A_66] {strides = array<i32>} : memref<512x64xf32, #tpu.memory_space<vmem>>, vector<1x16xf32>,
      %get3A_68 = vector.shape_cast %get3A_67 : vector<1x16xf32> to vector<16xf32>
      %add3A_69 = arith.addf %get3A_64, %get3A_68 : vector<16xf32>
      %swap3A = arith.index_cast %add3A_61 : i32 to index
      %swap3A_70 = tpu.vector_load %arg8[%swap3A] {strides = array<i32>} : memref<32768xf32, #tpu.memory_space<vmem>>, vector<16xf32>,
      %swap3A_71 = vector.shape_cast %swap3A_70 : vector<16xf32> to vector<16xf32>
      %swap3A_72 = vector.shape_cast %add3A_69 : vector<16xf32> to vector<16xf32>
      tpu.vector_store %arg8[%swap3A], %swap3A_72 {add = true, strides = array<i32>} : memref<32768xf32, #tpu.memory_space<vmem>>, vector<16xf32>,
      %mul3A_73 = arith.constant 64 : i32
      %mul3A_74 = arith.muli %add3A_57, %mul3A_73 : i32
      %add3A_75 = arith.constant 16 : i32
      %add3A_76 = arith.addi %mul3A_74, %add3A_75 : i32
      %get3A_77 = arith.index_cast %add3A_57 : i32 to index
      %get3A_78 = arith.constant 16 : index
      %get3A_79 = tpu.vector_load %arg6[%get3A_77, %get3A_78] {strides = array<i32>} : memref<512x64xf32, #tpu.memory_space<vmem>>, vector<1x16xf32>,
      %get3A_80 = vector.shape_cast %get3A_79 : vector<1x16xf32> to vector<16xf32>
      %get3A_81 = arith.index_cast %add3A_57 : i32 to index
      %get3A_82 = arith.constant 16 : index
      %get3A_83 = tpu.vector_load %arg7[%get3A_81, %get3A_82] {strides = array<i32>} : memref<512x64xf32, #tpu.memory_space<vmem>>, vector<1x16xf32>,
      %get3A_84 = vector.shape_cast %get3A_83 : vector<1x16xf32> to vector<16xf32>
      %add3A_85 = arith.addf %get3A_80, %get3A_84 : vector<16xf32>
      %swap3A_86 = arith.index_cast %add3A_76 : i32 to index
      %swap3A_87 = tpu.vector_load %arg8[%swap3A_86] {strides = array<i32>} : memref<32768xf32, #tpu.memory_space<vmem>>, vector<16xf32>,
      %swap3A_88 = vector.shape_cast %swap3A_87 : vector<16xf32> to vector<16xf32>
      %swap3A_89 = vector.shape_cast %add3A_85 : vector<16xf32> to vector<16xf32>
      tpu.vector_store %arg8[%swap3A_86], %swap3A_89 {add = true, strides = array<i32>} : memref<32768xf32, #tpu.memory_space<vmem>>, vector<16xf32>,
      %mul3A_90 = arith.constant 64 : i32
      %mul3A_91 = arith.muli %add3A_57, %mul3A_90 : i32
      %add3A_92 = arith.constant 32 : i32
      %add3A_93 = arith.addi %mul3A_91, %add3A_92 : i32
      %get3A_94 = arith.index_cast %add3A_57 : i32 to index
      %get3A_95 = arith.constant 32 : index
      %get3A_96 = tpu.vector_load %arg6[%get3A_94, %get3A_95] {strides = array<i32>} : memref<512x64xf32, #tpu.memory_space<vmem>>, vector<1x16xf32>,
      %get3A_97 = vector.shape_cast %get3A_96 : vector<1x16xf32> to vector<16xf32>
      %get3A_98 = arith.index_cast %add3A_57 : i32 to index
      %get3A_99 = arith.constant 32 : index
      %get3A_100 = tpu.vector_load %arg7[%get3A_98, %get3A_99] {strides = array<i32>} : memref<512x64xf32, #tpu.memory_space<vmem>>, vector<1x16xf32>,
      %get3A_101 = vector.shape_cast %get3A_100 : vector<1x16xf32> to vector<16xf32>
      %add3A_102 = arith.addf %get3A_97, %get3A_101 : vector<16xf32>
      %swap3A_103 = arith.index_cast %add3A_93 : i32 to index
      %swap3A_104 = tpu.vector_load %arg8[%swap3A_103] {strides = array<i32>} : memref<32768xf32, #tpu.memory_space<vmem>>, vector<16xf32>,
      %swap3A_105 = vector.shape_cast %swap3A_104 : vector<16xf32> to vector<16xf32>
      %swap3A_106 = vector.shape_cast %add3A_102 : vector<16xf32> to vector<16xf32>
      tpu.vector_store %arg8[%swap3A_103], %swap3A_106 {add = true, strides = array<i32>} : memref<32768xf32, #tpu.memory_space<vmem>>, vector<16xf32>,
      %mul3A_107 = arith.constant 64 : i32
      %mul3A_108 = arith.muli %add3A_57, %mul3A_107 : i32
      %add3A_109 = arith.constant 48 : i32
      %add3A_110 = arith.addi %mul3A_108, %add3A_109 : i32
      %get3A_111 = arith.index_cast %add3A_57 : i32 to index
      %get3A_112 = arith.constant 48 : index
      %get3A_113 = tpu.vector_load %arg6[%get3A_111, %get3A_112] {strides = array<i32>} : memref<512x64xf32, #tpu.memory_space<vmem>>, vector<1x16xf32>,
      %get3A_114 = vector.shape_cast %get3A_113 : vector<1x16xf32> to vector<16xf32>
      %get3A_115 = arith.index_cast %add3A_57 : i32 to index
      %get3A_116 = arith.constant 48 : index
      %get3A_117 = tpu.vector_load %arg7[%get3A_115, %get3A_116] {strides = array<i32>} : memref<512x64xf32, #tpu.memory_space<vmem>>, vector<1x16xf32>,
      %get3A_118 = vector.shape_cast %get3A_117 : vector<1x16xf32> to vector<16xf32>
      %add3A_119 = arith.addf %get3A_114, %get3A_118 : vector<16xf32>
      %swap3A_120 = arith.index_cast %add3A_110 : i32 to index
      %swap3A_121 = tpu.vector_load %arg8[%swap3A_120] {strides = array<i32>} : memref<32768xf32, #tpu.memory_space<vmem>>, vector<16xf32>,
      %swap3A_122 = vector.shape_cast %swap3A_121 : vector<16xf32> to vector<16xf32>
      %swap3A_123 = vector.shape_cast %add3A_119 : vector<16xf32> to vector<16xf32>
      tpu.vector_store %arg8[%swap3A_120], %swap3A_123 {add = true, strides = array<i32>} : memref<32768xf32, #tpu.memory_space<vmem>>, vector<16xf32>,
      %mul3A_124 = arith.constant 4 : i32
      %mul3A_125 = arith.muli %scan3A_53, %mul3A_124 : i32
      %add3A_126 = arith.constant 1 : i32
      %add3A_127 = arith.addi %mul3A_125, %add3A_126 : i32
      %mul3A_128 = arith.constant 64 : i32
      %mul3A_129 = arith.muli %add3A_127, %mul3A_128 : i32
      %add3A_130 = arith.constant 0 : i32
      %add3A_131 = arith.addi %mul3A_129, %add3A_130 : i32
      %get3A_132 = arith.index_cast %add3A_127 : i32 to index
      %get3A_133 = arith.constant 0 : index
      %get3A_134 = tpu.vector_load %arg6[%get3A_132, %get3A_133] {strides = array<i32>} : memref<512x64xf32, #tpu.memory_space<vmem>>, vector<1x16xf32>,
      %get3A_135 = vector.shape_cast %get3A_134 : vector<1x16xf32> to vector<16xf32>
      %get3A_136 = arith.index_cast %add3A_127 : i32 to index
      %get3A_137 = arith.constant 0 : index
      %get3A_138 = tpu.vector_load %arg7[%get3A_136, %get3A_137] {strides = array<i32>} : memref<512x64xf32, #tpu.memory_space<vmem>>, vector<1x16xf32>,
      %get3A_139 = vector.shape_cast %get3A_138 : vector<1x16xf32> to vector<16xf32>
      %add3A_140 = arith.addf %get3A_135, %get3A_139 : vector<16xf32>
      %swap3A_141 = arith.index_cast %add3A_131 : i32 to index
      %swap3A_142 = tpu.vector_load %arg8[%swap3A_141] {strides = array<i32>} : memref<32768xf32, #tpu.memory_space<vmem>>, vector<16xf32>,
      %swap3A_143 = vector.shape_cast %swap3A_142 : vector<16xf32> to vector<16xf32>
      %swap3A_144 = vector.shape_cast %add3A_140 : vector<16xf32> to vector<16xf32>
      tpu.vector_store %arg8[%swap3A_141], %swap3A_144 {add = true, strides = array<i32>} : memref<32768xf32, #tpu.memory_space<vmem>>, vector<16xf32>,
      %mul3A_145 = arith.constant 64 : i32
      %mul3A_146 = arith.muli %add3A_127, %mul3A_145 : i32
      %add3A_147 = arith.constant 16 : i32
      %add3A_148 = arith.addi %mul3A_146, %add3A_147 : i32
      %get3A_149 = arith.index_cast %add3A_127 : i32 to index
      %get3A_150 = arith.constant 16 : index
      %get3A_151 = tpu.vector_load %arg6[%get3A_149, %get3A_150] {strides = array<i32>} : memref<512x64xf32, #tpu.memory_space<vmem>>, vector<1x16xf32>,
      %get3A_152 = vector.shape_cast %get3A_151 : vector<1x16xf32> to vector<16xf32>
      %get3A_153 = arith.index_cast %add3A_127 : i32 to index
      %get3A_154 = arith.constant 16 : index
      %get3A_155 = tpu.vector_load %arg7[%get3A_153, %get3A_154] {strides = array<i32>} : memref<512x64xf32, #tpu.memory_space<vmem>>, vector<1x16xf32>,
      %get3A_156 = vector.shape_cast %get3A_155 : vector<1x16xf32> to vector<16xf32>
      %add3A_157 = arith.addf %get3A_152, %get3A_156 : vector<16xf32>
      %swap3A_158 = arith.index_cast %add3A_148 : i32 to index
      %swap3A_159 = tpu.vector_load %arg8[%swap3A_158] {strides = array<i32>} : memref<32768xf32, #tpu.memory_space<vmem>>, vector<16xf32>,
      %swap3A_160 = vector.shape_cast %swap3A_159 : vector<16xf32> to vector<16xf32>
      %swap3A_161 = vector.shape_cast %add3A_157 : vector<16xf32> to vector<16xf32>
      tpu.vector_store %arg8[%swap3A_158], %swap3A_161 {add = true, strides = array<i32>} : memref<32768xf32, #tpu.memory_space<vmem>>, vector<16xf32>,
      %mul3A_162 = arith.constant 64 : i32
      %mul3A_163 = arith.muli %add3A_127, %mul3A_162 : i32
      %add3A_164 = arith.constant 32 : i32
      %add3A_165 = arith.addi %mul3A_163, %add3A_164 : i32
      %get3A_166 = arith.index_cast %add3A_127 : i32 to index
      %get3A_167 = arith.constant 32 : index
      %get3A_168 = tpu.vector_load %arg6[%get3A_166, %get3A_167] {strides = array<i32>} : memref<512x64xf32, #tpu.memory_space<vmem>>, vector<1x16xf32>,
      %get3A_169 = vector.shape_cast %get3A_168 : vector<1x16xf32> to vector<16xf32>
      %get3A_170 = arith.index_cast %add3A_127 : i32 to index
      %get3A_171 = arith.constant 32 : index
      %get3A_172 = tpu.vector_load %arg7[%get3A_170, %get3A_171] {strides = array<i32>} : memref<512x64xf32, #tpu.memory_space<vmem>>, vector<1x16xf32>,
      %get3A_173 = vector.shape_cast %get3A_172 : vector<1x16xf32> to vector<16xf32>
      %add3A_174 = arith.addf %get3A_169, %get3A_173 : vector<16xf32>
      %swap3A_175 = arith.index_cast %add3A_165 : i32 to index
      %swap3A_176 = tpu.vector_load %arg8[%swap3A_175] {strides = array<i32>} : memref<32768xf32, #tpu.memory_space<vmem>>, vector<16xf32>,
      %swap3A_177 = vector.shape_cast %swap3A_176 : vector<16xf32> to vector<16xf32>
      %swap3A_178 = vector.shape_cast %add3A_174 : vector<16xf32> to vector<16xf32>
      tpu.vector_store %arg8[%swap3A_175], %swap3A_178 {add = true, strides = array<i32>} : memref<32768xf32, #tpu.memory_space<vmem>>, vector<16xf32>,
      %mul3A_179 = arith.constant 64 : i32
      %mul3A_180 = arith.muli %add3A_127, %mul3A_179 : i32
      %add3A_181 = arith.constant 48 : i32
      %add3A_182 = arith.addi %mul3A_180, %add3A_181 : i32
      %get3A_183 = arith.index_cast %add3A_127 : i32 to index
      %get3A_184 = arith.constant 48 : index
      %get3A_185 = tpu.vector_load %arg6[%get3A_183, %get3A_184] {strides = array<i32>} : memref<512x64xf32, #tpu.memory_space<vmem>>, vector<1x16xf32>,
      %get3A_186 = vector.shape_cast %get3A_185 : vector<1x16xf32> to vector<16xf32>
      %get3A_187 = arith.index_cast %add3A_127 : i32 to index
      %get3A_188 = arith.constant 48 : index
      %get3A_189 = tpu.vector_load %arg7[%get3A_187, %get3A_188] {strides = array<i32>} : memref<512x64xf32, #tpu.memory_space<vmem>>, vector<1x16xf32>,
      %get3A_190 = vector.shape_cast %get3A_189 : vector<1x16xf32> to vector<16xf32>
      %add3A_191 = arith.addf %get3A_186, %get3A_190 : vector<16xf32>
      %swap3A_192 = arith.index_cast %add3A_182 : i32 to index
      %swap3A_193 = tpu.vector_load %arg8[%swap3A_192] {strides = array<i32>} : memref<32768xf32, #tpu.memory_space<vmem>>, vector<16xf32>,
      %swap3A_194 = vector.shape_cast %swap3A_193 : vector<16xf32> to vector<16xf32>
      %swap3A_195 = vector.shape_cast %add3A_191 : vector<16xf32> to vector<16xf32>
      tpu.vector_store %arg8[%swap3A_192], %swap3A_195 {add = true, strides = array<i32>} : memref<32768xf32, #tpu.memory_space<vmem>>, vector<16xf32>,
      %mul3A_196 = arith.constant 4 : i32
      %mul3A_197 = arith.muli %scan3A_53, %mul3A_196 : i32
      %add3A_198 = arith.constant 2 : i32
      %add3A_199 = arith.addi %mul3A_197, %add3A_198 : i32
      %mul3A_200 = arith.constant 64 : i32
      %mul3A_201 = arith.muli %add3A_199, %mul3A_200 : i32
      %add3A_202 = arith.constant 0 : i32
      %add3A_203 = arith.addi %mul3A_201, %add3A_202 : i32
      %get3A_204 = arith.index_cast %add3A_199 : i32 to index
      %get3A_205 = arith.constant 0 : index
      %get3A_206 = tpu.vector_load %arg6[%get3A_204, %get3A_205] {strides = array<i32>} : memref<512x64xf32, #tpu.memory_space<vmem>>, vector<1x16xf32>,
      %get3A_207 = vector.shape_cast %get3A_206 : vector<1x16xf32> to vector<16xf32>
      %get3A_208 = arith.index_cast %add3A_199 : i32 to index
      %get3A_209 = arith.constant 0 : index
      %get3A_210 = tpu.vector_load %arg7[%get3A_208, %get3A_209] {strides = array<i32>} : memref<512x64xf32, #tpu.memory_space<vmem>>, vector<1x16xf32>,
      %get3A_211 = vector.shape_cast %get3A_210 : vector<1x16xf32> to vector<16xf32>
      %add3A_212 = arith.addf %get3A_207, %get3A_211 : vector<16xf32>
      %swap3A_213 = arith.index_cast %add3A_203 : i32 to index
      %swap3A_214 = tpu.vector_load %arg8[%swap3A_213] {strides = array<i32>} : memref<32768xf32, #tpu.memory_space<vmem>>, vector<16xf32>,
      %swap3A_215 = vector.shape_cast %swap3A_214 : vector<16xf32> to vector<16xf32>
      %swap3A_216 = vector.shape_cast %add3A_212 : vector<16xf32> to vector<16xf32>
      tpu.vector_store %arg8[%swap3A_213], %swap3A_216 {add = true, strides = array<i32>} : memref<32768xf32, #tpu.memory_space<vmem>>, vector<16xf32>,
      %mul3A_217 = arith.constant 64 : i32
      %mul3A_218 = arith.muli %add3A_199, %mul3A_217 : i32
      %add3A_219 = arith.constant 16 : i32
      %add3A_220 = arith.addi %mul3A_218, %add3A_219 : i32
      %get3A_221 = arith.index_cast %add3A_199 : i32 to index
      %get3A_222 = arith.constant 16 : index
      %get3A_223 = tpu.vector_load %arg6[%get3A_221, %get3A_222] {strides = array<i32>} : memref<512x64xf32, #tpu.memory_space<vmem>>, vector<1x16xf32>,
      %get3A_224 = vector.shape_cast %get3A_223 : vector<1x16xf32> to vector<16xf32>
      %get3A_225 = arith.index_cast %add3A_199 : i32 to index
      %get3A_226 = arith.constant 16 : index
      %get3A_227 = tpu.vector_load %arg7[%get3A_225, %get3A_226] {strides = array<i32>} : memref<512x64xf32, #tpu.memory_space<vmem>>, vector<1x16xf32>,
      %get3A_228 = vector.shape_cast %get3A_227 : vector<1x16xf32> to vector<16xf32>
      %add3A_229 = arith.addf %get3A_224, %get3A_228 : vector<16xf32>
      %swap3A_230 = arith.index_cast %add3A_220 : i32 to index
      %swap3A_231 = tpu.vector_load %arg8[%swap3A_230] {strides = array<i32>} : memref<32768xf32, #tpu.memory_space<vmem>>, vector<16xf32>,
      %swap3A_232 = vector.shape_cast %swap3A_231 : vector<16xf32> to vector<16xf32>
      %swap3A_233 = vector.shape_cast %add3A_229 : vector<16xf32> to vector<16xf32>
      tpu.vector_store %arg8[%swap3A_230], %swap3A_233 {add = true, strides = array<i32>} : memref<32768xf32, #tpu.memory_space<vmem>>, vector<16xf32>,
      %mul3A_234 = arith.constant 64 : i32
      %mul3A_235 = arith.muli %add3A_199, %mul3A_234 : i32
      %add3A_236 = arith.constant 32 : i32
      %add3A_237 = arith.addi %mul3A_235, %add3A_236 : i32
      %get3A_238 = arith.index_cast %add3A_199 : i32 to index
      %get3A_239 = arith.constant 32 : index
      %get3A_240 = tpu.vector_load %arg6[%get3A_238, %get3A_239] {strides = array<i32>} : memref<512x64xf32, #tpu.memory_space<vmem>>, vector<1x16xf32>,
      %get3A_241 = vector.shape_cast %get3A_240 : vector<1x16xf32> to vector<16xf32>
      %get3A_242 = arith.index_cast %add3A_199 : i32 to index
      %get3A_243 = arith.constant 32 : index
      %get3A_244 = tpu.vector_load %arg7[%get3A_242, %get3A_243] {strides = array<i32>} : memref<512x64xf32, #tpu.memory_space<vmem>>, vector<1x16xf32>,
      %get3A_245 = vector.shape_cast %get3A_244 : vector<1x16xf32> to vector<16xf32>
      %add3A_246 = arith.addf %get3A_241, %get3A_245 : vector<16xf32>
      %swap3A_247 = arith.index_cast %add3A_237 : i32 to index
      %swap3A_248 = tpu.vector_load %arg8[%swap3A_247] {strides = array<i32>} : memref<32768xf32, #tpu.memory_space<vmem>>, vector<16xf32>,
      %swap3A_249 = vector.shape_cast %swap3A_248 : vector<16xf32> to vector<16xf32>
      %swap3A_250 = vector.shape_cast %add3A_246 : vector<16xf32> to vector<16xf32>
      tpu.vector_store %arg8[%swap3A_247], %swap3A_250 {add = true, strides = array<i32>} : memref<32768xf32, #tpu.memory_space<vmem>>, vector<16xf32>,
      %mul3A_251 = arith.constant 64 : i32
      %mul3A_252 = arith.muli %add3A_199, %mul3A_251 : i32
      %add3A_253 = arith.constant 48 : i32
      %add3A_254 = arith.addi %mul3A_252, %add3A_253 : i32
      %get3A_255 = arith.index_cast %add3A_199 : i32 to index
      %get3A_256 = arith.constant 48 : index
      %get3A_257 = tpu.vector_load %arg6[%get3A_255, %get3A_256] {strides = array<i32>} : memref<512x64xf32, #tpu.memory_space<vmem>>, vector<1x16xf32>,
      %get3A_258 = vector.shape_cast %get3A_257 : vector<1x16xf32> to vector<16xf32>
      %get3A_259 = arith.index_cast %add3A_199 : i32 to index
      %get3A_260 = arith.constant 48 : index
      %get3A_261 = tpu.vector_load %arg7[%get3A_259, %get3A_260] {strides = array<i32>} : memref<512x64xf32, #tpu.memory_space<vmem>>, vector<1x16xf32>,
      %get3A_262 = vector.shape_cast %get3A_261 : vector<1x16xf32> to vector<16xf32>
      %add3A_263 = arith.addf %get3A_258, %get3A_262 : vector<16xf32>
      %swap3A_264 = arith.index_cast %add3A_254 : i32 to index
      %swap3A_265 = tpu.vector_load %arg8[%swap3A_264] {strides = array<i32>} : memref<32768xf32, #tpu.memory_space<vmem>>, vector<16xf32>,
      %swap3A_266 = vector.shape_cast %swap3A_265 : vector<16xf32> to vector<16xf32>
      %swap3A_267 = vector.shape_cast %add3A_263 : vector<16xf32> to vector<16xf32>
      tpu.vector_store %arg8[%swap3A_264], %swap3A_267 {add = true, strides = array<i32>} : memref<32768xf32, #tpu.memory_space<vmem>>, vector<16xf32>,
      %mul3A_268 = arith.constant 4 : i32
      %mul3A_269 = arith.muli %scan3A_53, %mul3A_268 : i32
      %add3A_270 = arith.constant 3 : i32
      %add3A_271 = arith.addi %mul3A_269, %add3A_270 : i32
      %mul3A_272 = arith.constant 64 : i32
      %mul3A_273 = arith.muli %add3A_271, %mul3A_272 : i32
      %add3A_274 = arith.constant 0 : i32
      %add3A_275 = arith.addi %mul3A_273, %add3A_274 : i32
      %get3A_276 = arith.index_cast %add3A_271 : i32 to index
      %get3A_277 = arith.constant 0 : index
      %get3A_278 = tpu.vector_load %arg6[%get3A_276, %get3A_277] {strides = array<i32>} : memref<512x64xf32, #tpu.memory_space<vmem>>, vector<1x16xf32>,
      %get3A_279 = vector.shape_cast %get3A_278 : vector<1x16xf32> to vector<16xf32>
      %get3A_280 = arith.index_cast %add3A_271 : i32 to index
      %get3A_281 = arith.constant 0 : index
      %get3A_282 = tpu.vector_load %arg7[%get3A_280, %get3A_281] {strides = array<i32>} : memref<512x64xf32, #tpu.memory_space<vmem>>, vector<1x16xf32>,
      %get3A_283 = vector.shape_cast %get3A_282 : vector<1x16xf32> to vector<16xf32>
      %add3A_284 = arith.addf %get3A_279, %get3A_283 : vector<16xf32>
      %swap3A_285 = arith.index_cast %add3A_275 : i32 to index
      %swap3A_286 = tpu.vector_load %arg8[%swap3A_285] {strides = array<i32>} : memref<32768xf32, #tpu.memory_space<vmem>>, vector<16xf32>,
      %swap3A_287 = vector.shape_cast %swap3A_286 : vector<16xf32> to vector<16xf32>
      %swap3A_288 = vector.shape_cast %add3A_284 : vector<16xf32> to vector<16xf32>
      tpu.vector_store %arg8[%swap3A_285], %swap3A_288 {add = true, strides = array<i32>} : memref<32768xf32, #tpu.memory_space<vmem>>, vector<16xf32>,
      %mul3A_289 = arith.constant 64 : i32
      %mul3A_290 = arith.muli %add3A_271, %mul3A_289 : i32
      %add3A_291 = arith.constant 16 : i32
      %add3A_292 = arith.addi %mul3A_290, %add3A_291 : i32
      %get3A_293 = arith.index_cast %add3A_271 : i32 to index
      %get3A_294 = arith.constant 16 : index
      %get3A_295 = tpu.vector_load %arg6[%get3A_293, %get3A_294] {strides = array<i32>} : memref<512x64xf32, #tpu.memory_space<vmem>>, vector<1x16xf32>,
      %get3A_296 = vector.shape_cast %get3A_295 : vector<1x16xf32> to vector<16xf32>
      %get3A_297 = arith.index_cast %add3A_271 : i32 to index
      %get3A_298 = arith.constant 16 : index
      %get3A_299 = tpu.vector_load %arg7[%get3A_297, %get3A_298] {strides = array<i32>} : memref<512x64xf32, #tpu.memory_space<vmem>>, vector<1x16xf32>,
      %get3A_300 = vector.shape_cast %get3A_299 : vector<1x16xf32> to vector<16xf32>
      %add3A_301 = arith.addf %get3A_296, %get3A_300 : vector<16xf32>
      %swap3A_302 = arith.index_cast %add3A_292 : i32 to index
      %swap3A_303 = tpu.vector_load %arg8[%swap3A_302] {strides = array<i32>} : memref<32768xf32, #tpu.memory_space<vmem>>, vector<16xf32>,
      %swap3A_304 = vector.shape_cast %swap3A_303 : vector<16xf32> to vector<16xf32>
      %swap3A_305 = vector.shape_cast %add3A_301 : vector<16xf32> to vector<16xf32>
      tpu.vector_store %arg8[%swap3A_302], %swap3A_305 {add = true, strides = array<i32>} : memref<32768xf32, #tpu.memory_space<vmem>>, vector<16xf32>,
      %mul3A_306 = arith.constant 64 : i32
      %mul3A_307 = arith.muli %add3A_271, %mul3A_306 : i32
      %add3A_308 = arith.constant 32 : i32
      %add3A_309 = arith.addi %mul3A_307, %add3A_308 : i32
      %get3A_310 = arith.index_cast %add3A_271 : i32 to index
      %get3A_311 = arith.constant 32 : index
      %get3A_312 = tpu.vector_load %arg6[%get3A_310, %get3A_311] {strides = array<i32>} : memref<512x64xf32, #tpu.memory_space<vmem>>, vector<1x16xf32>,
      %get3A_313 = vector.shape_cast %get3A_312 : vector<1x16xf32> to vector<16xf32>
      %get3A_314 = arith.index_cast %add3A_271 : i32 to index
      %get3A_315 = arith.constant 32 : index
      %get3A_316 = tpu.vector_load %arg7[%get3A_314, %get3A_315] {strides = array<i32>} : memref<512x64xf32, #tpu.memory_space<vmem>>, vector<1x16xf32>,
      %get3A_317 = vector.shape_cast %get3A_316 : vector<1x16xf32> to vector<16xf32>
      %add3A_318 = arith.addf %get3A_313, %get3A_317 : vector<16xf32>
      %swap3A_319 = arith.index_cast %add3A_309 : i32 to index
      %swap3A_320 = tpu.vector_load %arg8[%swap3A_319] {strides = array<i32>} : memref<32768xf32, #tpu.memory_space<vmem>>, vector<16xf32>,
      %swap3A_321 = vector.shape_cast %swap3A_320 : vector<16xf32> to vector<16xf32>
      %swap3A_322 = vector.shape_cast %add3A_318 : vector<16xf32> to vector<16xf32>
      tpu.vector_store %arg8[%swap3A_319], %swap3A_322 {add = true, strides = array<i32>} : memref<32768xf32, #tpu.memory_space<vmem>>, vector<16xf32>,
      %mul3A_323 = arith.constant 64 : i32
      %mul3A_324 = arith.muli %add3A_271, %mul3A_323 : i32
      %add3A_325 = arith.constant 48 : i32
      %add3A_326 = arith.addi %mul3A_324, %add3A_325 : i32
      %get3A_327 = arith.index_cast %add3A_271 : i32 to index
      %get3A_328 = arith.constant 48 : index
      %get3A_329 = tpu.vector_load %arg6[%get3A_327, %get3A_328] {strides = array<i32>} : memref<512x64xf32, #tpu.memory_space<vmem>>, vector<1x16xf32>,
      %get3A_330 = vector.shape_cast %get3A_329 : vector<1x16xf32> to vector<16xf32>
      %get3A_331 = arith.index_cast %add3A_271 : i32 to index
      %get3A_332 = arith.constant 48 : index
      %get3A_333 = tpu.vector_load %arg7[%get3A_331, %get3A_332] {strides = array<i32>} : memref<512x64xf32, #tpu.memory_space<vmem>>, vector<1x16xf32>,
      %get3A_334 = vector.shape_cast %get3A_333 : vector<1x16xf32> to vector<16xf32>
      %add3A_335 = arith.addf %get3A_330, %get3A_334 : vector<16xf32>
      %swap3A_336 = arith.index_cast %add3A_326 : i32 to index
      %swap3A_337 = tpu.vector_load %arg8[%swap3A_336] {strides = array<i32>} : memref<32768xf32, #tpu.memory_space<vmem>>, vector<16xf32>,
      %swap3A_338 = vector.shape_cast %swap3A_337 : vector<16xf32> to vector<16xf32>
      %swap3A_339 = vector.shape_cast %add3A_335 : vector<16xf32> to vector<16xf32>
      tpu.vector_store %arg8[%swap3A_336], %swap3A_339 {add = true, strides = array<i32>} : memref<32768xf32, #tpu.memory_space<vmem>>, vector<16xf32>,
    }
    %scan3A_44 = arith.constant 128 : i32
    %scan3A_45 = arith.constant 0 : i32
    %scan3A_46 = arith.constant 0 : i32
    %scan3A_47 = arith.constant 256 : i32
    %scan3A_48 = arith.addi %scan3A_46, %scan3A_47 : i32
    %scan3A_49 = arith.constant 1 : i32
    scf.for %scan3A_53 = %scan3A_46 to %scan3A_48 step %scan3A_49  : i32 {
      %mul3A_54 = arith.constant 128 : i32
      %mul3A_55 = arith.muli %scan3A_53, %mul3A_54 : i32
      %add3A_56 = arith.constant 0 : i32
      %add3A_57 = arith.addi %mul3A_55, %add3A_56 : i32
      %get3A = arith.index_cast %add3A_57 : i32 to index
      %get3A_58 = tpu.vector_load %arg8[%get3A] {strides = array<i32>} : memref<32768xf32, #tpu.memory_space<vmem>>, vector<16xf32>,
      %get3A_59 = vector.shape_cast %get3A_58 : vector<16xf32> to vector<16xf32>
      %max3A = arith.constant 0.000000e+00 : f32
      %max3A_60 = vector.broadcast %max3A : f32 to vector<16xf32>
      %max3A_61 = arith.maximumf %get3A_59, %max3A_60 : vector<16xf32>
      %swap3A = arith.index_cast %add3A_57 : i32 to index
      %swap3A_62 = tpu.vector_load %arg8[%swap3A] {strides = array<i32>} : memref<32768xf32, #tpu.memory_space<vmem>>, vector<16xf32>,
      %swap3A_63 = vector.shape_cast %swap3A_62 : vector<16xf32> to vector<16xf32>
      %swap3A_64 = vector.shape_cast %max3A_61 : vector<16xf32> to vector<16xf32>
      tpu.vector_store %arg8[%swap3A], %swap3A_64 {strides = array<i32>} : memref<32768xf32, #tpu.memory_space<vmem>>, vector<16xf32>,
      %mul3A_65 = arith.constant 128 : i32
      %mul3A_66 = arith.muli %scan3A_53, %mul3A_65 : i32
      %add3A_67 = arith.constant 16 : i32
      %add3A_68 = arith.addi %mul3A_66, %add3A_67 : i32
      %get3A_69 = arith.index_cast %add3A_68 : i32 to index
      %get3A_70 = tpu.vector_load %arg8[%get3A_69] {strides = array<i32>} : memref<32768xf32, #tpu.memory_space<vmem>>, vector<16xf32>,
      %get3A_71 = vector.shape_cast %get3A_70 : vector<16xf32> to vector<16xf32>
      %max3A_72 = arith.constant 0.000000e+00 : f32
      %max3A_73 = vector.broadcast %max3A_72 : f32 to vector<16xf32>
      %max3A_74 = arith.maximumf %get3A_71, %max3A_73 : vector<16xf32>
      %swap3A_75 = arith.index_cast %add3A_68 : i32 to index
      %swap3A_76 = tpu.vector_load %arg8[%swap3A_75] {strides = array<i32>} : memref<32768xf32, #tpu.memory_space<vmem>>, vector<16xf32>,
      %swap3A_77 = vector.shape_cast %swap3A_76 : vector<16xf32> to vector<16xf32>
      %swap3A_78 = vector.shape_cast %max3A_74 : vector<16xf32> to vector<16xf32>
      tpu.vector_store %arg8[%swap3A_75], %swap3A_78 {strides = array<i32>} : memref<32768xf32, #tpu.memory_space<vmem>>, vector<16xf32>,
      %mul3A_79 = arith.constant 128 : i32
      %mul3A_80 = arith.muli %scan3A_53, %mul3A_79 : i32
      %add3A_81 = arith.constant 32 : i32
      %add3A_82 = arith.addi %mul3A_80, %add3A_81 : i32
      %get3A_83 = arith.index_cast %add3A_82 : i32 to index
      %get3A_84 = tpu.vector_load %arg8[%get3A_83] {strides = array<i32>} : memref<32768xf32, #tpu.memory_space<vmem>>, vector<16xf32>,
      %get3A_85 = vector.shape_cast %get3A_84 : vector<16xf32> to vector<16xf32>
      %max3A_86 = arith.constant 0.000000e+00 : f32
      %max3A_87 = vector.broadcast %max3A_86 : f32 to vector<16xf32>
      %max3A_88 = arith.maximumf %get3A_85, %max3A_87 : vector<16xf32>
      %swap3A_89 = arith.index_cast %add3A_82 : i32 to index
      %swap3A_90 = tpu.vector_load %arg8[%swap3A_89] {strides = array<i32>} : memref<32768xf32, #tpu.memory_space<vmem>>, vector<16xf32>,
      %swap3A_91 = vector.shape_cast %swap3A_90 : vector<16xf32> to vector<16xf32>
      %swap3A_92 = vector.shape_cast %max3A_88 : vector<16xf32> to vector<16xf32>
      tpu.vector_store %arg8[%swap3A_89], %swap3A_92 {strides = array<i32>} : memref<32768xf32, #tpu.memory_space<vmem>>, vector<16xf32>,
      %mul3A_93 = arith.constant 128 : i32
      %mul3A_94 = arith.muli %scan3A_53, %mul3A_93 : i32
      %add3A_95 = arith.constant 48 : i32
      %add3A_96 = arith.addi %mul3A_94, %add3A_95 : i32
      %get3A_97 = arith.index_cast %add3A_96 : i32 to index
      %get3A_98 = tpu.vector_load %arg8[%get3A_97] {strides = array<i32>} : memref<32768xf32, #tpu.memory_space<vmem>>, vector<16xf32>,
      %get3A_99 = vector.shape_cast %get3A_98 : vector<16xf32> to vector<16xf32>
      %max3A_100 = arith.constant 0.000000e+00 : f32
      %max3A_101 = vector.broadcast %max3A_100 : f32 to vector<16xf32>
      %max3A_102 = arith.maximumf %get3A_99, %max3A_101 : vector<16xf32>
      %swap3A_103 = arith.index_cast %add3A_96 : i32 to index
      %swap3A_104 = tpu.vector_load %arg8[%swap3A_103] {strides = array<i32>} : memref<32768xf32, #tpu.memory_space<vmem>>, vector<16xf32>,
      %swap3A_105 = vector.shape_cast %swap3A_104 : vector<16xf32> to vector<16xf32>
      %swap3A_106 = vector.shape_cast %max3A_102 : vector<16xf32> to vector<16xf32>
      tpu.vector_store %arg8[%swap3A_103], %swap3A_106 {strides = array<i32>} : memref<32768xf32, #tpu.memory_space<vmem>>, vector<16xf32>,
      %mul3A_107 = arith.constant 128 : i32
      %mul3A_108 = arith.muli %scan3A_53, %mul3A_107 : i32
      %add3A_109 = arith.constant 64 : i32
      %add3A_110 = arith.addi %mul3A_108, %add3A_109 : i32
      %get3A_111 = arith.index_cast %add3A_110 : i32 to index
      %get3A_112 = tpu.vector_load %arg8[%get3A_111] {strides = array<i32>} : memref<32768xf32, #tpu.memory_space<vmem>>, vector<16xf32>,
      %get3A_113 = vector.shape_cast %get3A_112 : vector<16xf32> to vector<16xf32>
      %max3A_114 = arith.constant 0.000000e+00 : f32
      %max3A_115 = vector.broadcast %max3A_114 : f32 to vector<16xf32>
      %max3A_116 = arith.maximumf %get3A_113, %max3A_115 : vector<16xf32>
      %swap3A_117 = arith.index_cast %add3A_110 : i32 to index
      %swap3A_118 = tpu.vector_load %arg8[%swap3A_117] {strides = array<i32>} : memref<32768xf32, #tpu.memory_space<vmem>>, vector<16xf32>,
      %swap3A_119 = vector.shape_cast %swap3A_118 : vector<16xf32> to vector<16xf32>
      %swap3A_120 = vector.shape_cast %max3A_116 : vector<16xf32> to vector<16xf32>
      tpu.vector_store %arg8[%swap3A_117], %swap3A_120 {strides = array<i32>} : memref<32768xf32, #tpu.memory_space<vmem>>, vector<16xf32>,
      %mul3A_121 = arith.constant 128 : i32
      %mul3A_122 = arith.muli %scan3A_53, %mul3A_121 : i32
      %add3A_123 = arith.constant 80 : i32
      %add3A_124 = arith.addi %mul3A_122, %add3A_123 : i32
      %get3A_125 = arith.index_cast %add3A_124 : i32 to index
      %get3A_126 = tpu.vector_load %arg8[%get3A_125] {strides = array<i32>} : memref<32768xf32, #tpu.memory_space<vmem>>, vector<16xf32>,
      %get3A_127 = vector.shape_cast %get3A_126 : vector<16xf32> to vector<16xf32>
      %max3A_128 = arith.constant 0.000000e+00 : f32
      %max3A_129 = vector.broadcast %max3A_128 : f32 to vector<16xf32>
      %max3A_130 = arith.maximumf %get3A_127, %max3A_129 : vector<16xf32>
      %swap3A_131 = arith.index_cast %add3A_124 : i32 to index
      %swap3A_132 = tpu.vector_load %arg8[%swap3A_131] {strides = array<i32>} : memref<32768xf32, #tpu.memory_space<vmem>>, vector<16xf32>,
      %swap3A_133 = vector.shape_cast %swap3A_132 : vector<16xf32> to vector<16xf32>
      %swap3A_134 = vector.shape_cast %max3A_130 : vector<16xf32> to vector<16xf32>
      tpu.vector_store %arg8[%swap3A_131], %swap3A_134 {strides = array<i32>} : memref<32768xf32, #tpu.memory_space<vmem>>, vector<16xf32>,
      %mul3A_135 = arith.constant 128 : i32
      %mul3A_136 = arith.muli %scan3A_53, %mul3A_135 : i32
      %add3A_137 = arith.constant 96 : i32
      %add3A_138 = arith.addi %mul3A_136, %add3A_137 : i32
      %get3A_139 = arith.index_cast %add3A_138 : i32 to index
      %get3A_140 = tpu.vector_load %arg8[%get3A_139] {strides = array<i32>} : memref<32768xf32, #tpu.memory_space<vmem>>, vector<16xf32>,
      %get3A_141 = vector.shape_cast %get3A_140 : vector<16xf32> to vector<16xf32>
      %max3A_142 = arith.constant 0.000000e+00 : f32
      %max3A_143 = vector.broadcast %max3A_142 : f32 to vector<16xf32>
      %max3A_144 = arith.maximumf %get3A_141, %max3A_143 : vector<16xf32>
      %swap3A_145 = arith.index_cast %add3A_138 : i32 to index
      %swap3A_146 = tpu.vector_load %arg8[%swap3A_145] {strides = array<i32>} : memref<32768xf32, #tpu.memory_space<vmem>>, vector<16xf32>,
      %swap3A_147 = vector.shape_cast %swap3A_146 : vector<16xf32> to vector<16xf32>
      %swap3A_148 = vector.shape_cast %max3A_144 : vector<16xf32> to vector<16xf32>
      tpu.vector_store %arg8[%swap3A_145], %swap3A_148 {strides = array<i32>} : memref<32768xf32, #tpu.memory_space<vmem>>, vector<16xf32>,
      %mul3A_149 = arith.constant 128 : i32
      %mul3A_150 = arith.muli %scan3A_53, %mul3A_149 : i32
      %add3A_151 = arith.constant 112 : i32
      %add3A_152 = arith.addi %mul3A_150, %add3A_151 : i32
      %get3A_153 = arith.index_cast %add3A_152 : i32 to index
      %get3A_154 = tpu.vector_load %arg8[%get3A_153] {strides = array<i32>} : memref<32768xf32, #tpu.memory_space<vmem>>, vector<16xf32>,
      %get3A_155 = vector.shape_cast %get3A_154 : vector<16xf32> to vector<16xf32>
      %max3A_156 = arith.constant 0.000000e+00 : f32
      %max3A_157 = vector.broadcast %max3A_156 : f32 to vector<16xf32>
      %max3A_158 = arith.maximumf %get3A_155, %max3A_157 : vector<16xf32>
      %swap3A_159 = arith.index_cast %add3A_152 : i32 to index
      %swap3A_160 = tpu.vector_load %arg8[%swap3A_159] {strides = array<i32>} : memref<32768xf32, #tpu.memory_space<vmem>>, vector<16xf32>,
      %swap3A_161 = vector.shape_cast %swap3A_160 : vector<16xf32> to vector<16xf32>
      %swap3A_162 = vector.shape_cast %max3A_158 : vector<16xf32> to vector<16xf32>
      tpu.vector_store %arg8[%swap3A_159], %swap3A_162 {strides = array<i32>} : memref<32768xf32, #tpu.memory_space<vmem>>, vector<16xf32>,
    }
    %scan3A_50 = arith.constant 256 : i32
    %mul3A_51 = arith.constant 32768 : i32
    %mul3A_52 = arith.muli %add3A, %mul3A_51 : i32
    "tpu.region"() ({
      %run_scoped3A = tpu.sem_alloc : memref<!tpu.dma_semaphore, #tpu.memory_space<semaphore_mem>>
      %dma_start3A_53 = tpu.memref_slice %arg4[%mul3A_52] : memref<1048576xf32, #tpu.memory_space<hbm>> -> memref<32768xf32, #tpu.memory_space<hbm>>
      %dma_start3A_54 = tpu.memref_slice %arg4[%mul3A_52] : memref<1048576xf32, #tpu.memory_space<hbm>> -> memref<32768xf32, #tpu.memory_space<hbm>>
      tpu.enqueue_dma source(%arg8 : memref<32768xf32, #tpu.memory_space<vmem>>) target(%dma_start3A_54 : memref<32768xf32, #tpu.memory_space<hbm>>) target_semaphore(%run_scoped3A : memref<!tpu.dma_semaphore, #tpu.memory_space<semaphore_mem>>)
      %dma_wait3A_55 = tpu.memref_slice %arg4[%mul3A_52] : memref<1048576xf32, #tpu.memory_space<hbm>> -> memref<32768xf32, #tpu.memory_space<hbm>>
      %dma_wait3A_56 = tpu.memref_slice %arg4[%mul3A_52] : memref<1048576xf32, #tpu.memory_space<hbm>> -> memref<32768xf32, #tpu.memory_space<hbm>>
      tpu.wait_dma2 semaphore(%run_scoped3A : memref<!tpu.dma_semaphore, #tpu.memory_space<semaphore_mem>>) src(%arg8 : memref<32768xf32, #tpu.memory_space<vmem>>) dst(%dma_wait3A_56 : memref<32768xf32, #tpu.memory_space<hbm>>)
      tpu.yield
    }) : () -> ()
    return
  }
}

module attributes {stable_mosaic.version = 14 : i64} {
  func.func @_tc_preweight_body(%arg0: i32, %arg1: i32, %arg2: memref<1x64x25600xf32, #tpu.memory_space<vmem>>, %arg3: memref<128x64xf32, #tpu.memory_space<vmem>>, %arg4: memref<128x64xf32, #tpu.memory_space<vmem>>, %arg5: memref<1x128xf32, #tpu.memory_space<vmem>>, %arg6: memref<1x12800x128xf32, #tpu.memory_space<vmem>>) attributes {dimension_semantics = [#tpu.dimension_semantics<arbitrary>, #tpu.dimension_semantics<arbitrary>], iteration_bounds = array<i64: 26, 4>, scalar_prefetch = 0 : i64, scratch_operands = 0 : i64, tpu.core_type = #tpu.core_type<tc>, window_params = [{transform_indices = @transform_0, window_bounds = array<i64: 1, 64, 25600>}, {pipeline_mode = #tpu.pipeline_mode<synchronous>, transform_indices = @transform_1, window_bounds = array<i64: 128, 64>}, {pipeline_mode = #tpu.pipeline_mode<synchronous>, transform_indices = @transform_2, window_bounds = array<i64: 128, 64>}, {pipeline_mode = #tpu.pipeline_mode<synchronous>, transform_indices = @transform_3, window_bounds = array<i64: 1, 128>}, {transform_indices = @transform_4, window_bounds = array<i64: 1, 12800, 128>}]} {
    %get3A = arith.constant 0 : index
    %get3A_0 = arith.constant 0 : index
    %get3A_1 = arith.constant 0 : index
    %get3A_2 = vector.load %arg2[%get3A, %get3A_0, %get3A_1] : memref<1x64x25600xf32, #tpu.memory_space<vmem>>, vector<1x64x12800xf32>
    %get3A_3 = vector.shape_cast %get3A_2 : vector<1x64x12800xf32> to vector<64x12800xf32>
    %get3A_4 = arith.constant 0 : index
    %get3A_5 = arith.constant 0 : index
    %get3A_6 = vector.load %arg3[%get3A_4, %get3A_5] : memref<128x64xf32, #tpu.memory_space<vmem>>, vector<128x64xf32>
    %dot_general3A = arith.constant dense<0.000000e+00> : vector<12800x128xf32>
    %dot_general3A_7 = tpu.matmul %get3A_3, %get3A_6, %dot_general3A {dimension_numbers = #tpu.dot_dimension_numbers<[0], [1], [1], [0], [0, 1, 1, 0], [], []>, transpose_lhs_hint = false} : vector<64x12800xf32>, vector<128x64xf32>, vector<12800x128xf32> -> vector<12800x128xf32>
    %get3A_8 = arith.constant 0 : index
    %get3A_9 = arith.constant 0 : index
    %get3A_10 = arith.constant 12800 : index
    %get3A_11 = vector.load %arg2[%get3A_8, %get3A_9, %get3A_10] : memref<1x64x25600xf32, #tpu.memory_space<vmem>>, vector<1x64x12800xf32>
    %get3A_12 = vector.shape_cast %get3A_11 : vector<1x64x12800xf32> to vector<64x12800xf32>
    %get3A_13 = arith.constant 0 : index
    %get3A_14 = arith.constant 0 : index
    %get3A_15 = vector.load %arg4[%get3A_13, %get3A_14] : memref<128x64xf32, #tpu.memory_space<vmem>>, vector<128x64xf32>
    %dot_general3A_16 = arith.constant dense<0.000000e+00> : vector<12800x128xf32>
    %dot_general3A_17 = tpu.matmul %get3A_12, %get3A_15, %dot_general3A_16 {dimension_numbers = #tpu.dot_dimension_numbers<[0], [1], [1], [0], [0, 1, 1, 0], [], []>, transpose_lhs_hint = false} : vector<64x12800xf32>, vector<128x64xf32>, vector<12800x128xf32> -> vector<12800x128xf32>
    %add3A = arith.addf %dot_general3A_7, %dot_general3A_17 : vector<12800x128xf32>
    %get3A_18 = arith.constant 0 : index
    %get3A_19 = arith.constant 0 : index
    %get3A_20 = vector.load %arg5[%get3A_18, %get3A_19] : memref<1x128xf32, #tpu.memory_space<vmem>>, vector<1x128xf32>
    %add3A_21 = vector.broadcast %get3A_20 : vector<1x128xf32> to vector<12800x128xf32>
    %add3A_22 = arith.addf %add3A, %add3A_21 : vector<12800x128xf32>
    %swap3A = arith.constant 0 : index
    %swap3A_23 = arith.constant 0 : index
    %swap3A_24 = arith.constant 0 : index
    %swap3A_25 = vector.load %arg6[%swap3A, %swap3A_23, %swap3A_24] : memref<1x12800x128xf32, #tpu.memory_space<vmem>>, vector<1x12800x128xf32>
    %swap3A_26 = vector.shape_cast %swap3A_25 : vector<1x12800x128xf32> to vector<12800x128xf32>
    %swap3A_27 = vector.shape_cast %add3A_22 : vector<12800x128xf32> to vector<1x12800x128xf32>
    tpu.vector_store %arg6[%swap3A, %swap3A_23, %swap3A_24], %swap3A_27 {strides = array<i32>} : memref<1x12800x128xf32, #tpu.memory_space<vmem>>, vector<1x12800x128xf32>,
    return
  }
  func.func @transform_0(%arg0: i32, %arg1: i32) -> (i32, i32, i32) {
    %c0_i32 = arith.constant 0 : i32
    %c0_i32_0 = arith.constant 0 : i32
    return %arg0, %c0_i32, %arg1 : i32, i32, i32
  }
  func.func @transform_1(%arg0: i32, %arg1: i32) -> (i32, i32) {
    %c0_i32 = arith.constant 0 : i32
    %c0_i32_0 = arith.constant 0 : i32
    %c0_i32_1 = arith.constant 0 : i32
    return %c0_i32, %c0_i32_0 : i32, i32
  }
  func.func @transform_2(%arg0: i32, %arg1: i32) -> (i32, i32) {
    %c0_i32 = arith.constant 0 : i32
    %c0_i32_0 = arith.constant 0 : i32
    %c0_i32_1 = arith.constant 0 : i32
    return %c0_i32, %c0_i32_0 : i32, i32
  }
  func.func @transform_3(%arg0: i32, %arg1: i32) -> (i32, i32) {
    %c0_i32 = arith.constant 0 : i32
    %c0_i32_0 = arith.constant 0 : i32
    %c0_i32_1 = arith.constant 0 : i32
    return %c0_i32, %c0_i32_0 : i32, i32
  }
  func.func @transform_4(%arg0: i32, %arg1: i32) -> (i32, i32, i32) {
    %c0_i32 = arith.constant 0 : i32
    %c0_i32_0 = arith.constant 0 : i32
    return %arg0, %arg1, %c0_i32 : i32, i32, i32
  }
}

</mosaic_0001>

<sc_bundles>
// kernel: kernel.4.cloned.1.call-start
scs
__scs_entry_jumppad:
0x0: {  	(pc) =	sbr.rel $0x88, $3  }
0x1: {  	(tag) =	ssettag $0x0;
	lr =	simm.s32 $0x1  }
0x2: {  	[smem:$0x3F9D] =	sst lr;
	_ =	strace $0xD0000000  }
0x3: {  	_ = 	snop  }
0x4: {  	_ = 	snop  }
0x5: {  	_ = 	snop  }
0x6: {  	_ = 	snop  }
0x7: {  	_ = 	snop  }
__scs_overlays_trampoline_lowered:
0x8: {  	[smem:$0x3FAC] =	sst s0  }
0x9: {  	[smem:$0x3FAD] =	sst s1  }
0xa: {  	[smem:$0x3FAE] =	sst s2  }
0xb: {  	[smem:$0x3FAF] =	sst s3  }
0xc: {  	[smem:$0x3FB0] =	sst s4  }
0xd: {  	[smem:$0x3FB1] =	sst s5  }
0xe: {  	[smem:$0x3FB2] =	sst s6  }
0xf: {  	[smem:$0x3FB3] =	sst s7  }
0x10: {  	[smem:$0x3FB4] =	sst s8  }
0x11: {  	[smem:$0x3FB5] =	sst s9;
	s0 =	simm.s32 @!p0 $0x0  }
0x12: {  	s1 =	sld [smem:$0x3F9B];
	s0 =	simm.s32 @p0 $0x1  }
0x13: {  	[smem:$0x3FB6] =	sst s0;
	s0 =	simm.s32 @!p1 $0x0  }
0x14: {  	s2 =	sld [smem:$0x3F9A];
	s0 =	simm.s32 @p1 $0x1  }
0x15: {  	[smem:$0x3FB7] =	sst s0;
	s0 =	simm.s32 @!p2 $0x0  }
0x16: {  	s3 =	sld [smem:$0x3FDB];
	s0 =	simm.s32 @p2 $0x1  }
0x17: {  	s4 =	simm.s32 $0x1BF5;
	[smem:$0x3FB9] =	sst s0  }
0x18: {  	s0 =	sld [smem:$0x3F9C];
	_ =	swait.ge [sflag:s4], $0x0  }
0x19: {  	s7 =	sld [smem:$0x3F9D]  }
0x1a: {  	s8 =	sadd.s32 $0xFFFFE003, lr  }
0x1b: {  	s9 =	sadd.s32 $0xFFFFFEF7, lr;
	s5 =	simm.s32 $0xFFFFFFFF;
	p2 =	slt.u32 s8, $0xFFFFF086  }
0x1c: {  	p1 =	slt.u32 s9, $0xF7A;
	s5 =	simm.s32 @!p2 $0x0  }
0x1d: {  	s5 =	simm.s32 @p1 $0x1;
	p0 =	seq.s32 s7, s2  }
0x1e: {  	s7 =	smul.u32 @!p0 $0xF7A, s2;
	p2 =	seq.s32 @!p0 s5, $0x0  }
0x1f: {  	s9 =	smul.u32 $0xF7A, s1;
	s8 =	simm.s32 @!p0 $0x1BF5;
	p2 =	por !p2, p0  }
0x20: {  	[sflag:s8] =	ssyncset.s32 @!p0 $0xFFFFF086;
	s6 =	sadd.s32 @!p0 s3, s7;
	s7 =	simm.s32 @!p0 $0x108  }
0x21: {  	s3 =	sadd.s32 s3, s9;
	s6 =	sadd.s32 @!p0 $0x88, s6;
	s7 =	simm.s32 @p2 $0x1082  }
0x22: {  	[simem:s7], [sflag:s8] =	dma.local @!p0 [hbm:s6], $0xF7A  }
0x23: {  	s9 =	sor.u32 $0xD0000000, s2;
	s6 =	simm.s32 $0x108;
	_ =	swait.ge @!p0 [sflag:s8], $0x0  }
0x24: {  	s3 =	sadd.s32 $0x88, s3;
	s6 =	simm.s32 @!p1 $0x1082;
	[sflag:s4] =	ssyncset.s32 $0xFFFFF086  }
0x25: {  	[simem:s6], [sflag:s4] =	dma.local [hbm:s3], $0xF7A  }
0x26: {  	[smem:$0x3F9D] =	sst s1;
	(tag) =	ssettag s2;
	_ =	strace s9  }
0x27: {  	s1 =	sld [smem:$0x3FAD]  }
0x28: {  	s2 =	sld [smem:$0x3FAE]  }
0x29: {  	s4 =	sld [smem:$0x3FB0]  }
0x2a: {  	p0 =	seq.s32 s5, $0x0;
	s5 =	sld [smem:$0x3FB1]  }
0x2b: {  	s6 =	sld [smem:$0x3FB2]  }
0x2c: {  	s7 =	sld [smem:$0x3FB3]  }
0x2d: {  	s3 =	simm.s32 $0x108;
	s8 =	sld [smem:$0x3FB4]  }
0x2e: {  	s3 =	simm.s32 @!p0 $0x1082;
	s9 =	sld [smem:$0x3FB5]  }
0x2f: {  	lr =	sadd.s32 s0, s3;
	s0 =	sld [smem:$0x3FAC]  }
0x30: {  	s3 =	sld [smem:$0x3FAF]  }
0x31: {  	[smem:$0x3FB8] =	sst s10  }
0x32: {  	s10 =	sld [smem:$0x3FB6];
	_ =	sdelay $0x3  }
0x33: {  	p0 =	seq.s32 s10, $0x1;
	s10 =	sld [smem:$0x3FB8];
	_ =	sdelay $0x3  }
0x34: {  	[smem:$0x3FB8] =	sst s10  }
0x35: {  	s10 =	sld [smem:$0x3FB7];
	_ =	sdelay $0x3  }
0x36: {  	p1 =	seq.s32 s10, $0x1;
	s10 =	sld [smem:$0x3FB8];
	_ =	sdelay $0x3  }
0x37: {  	[smem:$0x3FB8] =	sst s10  }
0x38: {  	s10 =	sld [smem:$0x3FB9]  }
0x39: {  	_ = 	snop;
	(pc) =	sbr.ind lr, $3  }
0x3a: {  	_ = 	snop  }
0x3b: {  	_ = 	snop  }
0x3c: {  	p2 =	seq.s32 s10, $0x1;
	s10 =	sld [smem:$0x3FB8]  }
0x3d: {  	_ =	shalt  }
0x3e: {  	_ =	shalt  }
0x3f: {  	_ =	shalt  }
0x40: {  	_ =	shalt  }
0x41: {  	_ =	shalt  }
0x42: {  	_ =	shalt  }
0x43: {  	_ =	shalt  }
0x44: {  	_ =	shalt  }
0x45: {  	_ =	shalt  }
0x46: {  	_ =	shalt  }
0x47: {  	_ =	shalt  }
0x48: {  	_ =	shalt  }
0x49: {  	_ =	shalt  }
0x4a: {  	_ =	shalt  }
0x4b: {  	_ =	shalt  }
0x4c: {  	_ =	shalt  }
0x4d: {  	_ =	shalt  }
0x4e: {  	_ =	shalt  }
0x4f: {  	_ =	shalt  }
0x50: {  	_ =	shalt  }
0x51: {  	_ =	shalt  }
0x52: {  	_ =	shalt  }
0x53: {  	_ =	shalt  }
0x54: {  	_ =	shalt  }
0x55: {  	_ =	shalt  }
0x56: {  	_ =	shalt  }
0x57: {  	_ =	shalt  }
0x58: {  	_ =	shalt  }
0x59: {  	_ =	shalt  }
0x5a: {  	_ =	shalt  }
0x5b: {  	_ =	shalt  }
0x5c: {  	_ =	shalt  }
0x5d: {  	_ =	shalt  }
0x5e: {  	_ =	shalt  }
0x5f: {  	_ =	shalt  }
0x60: {  	_ =	shalt  }
0x61: {  	_ =	shalt  }
0x62: {  	_ =	shalt  }
0x63: {  	_ =	shalt  }
0x64: {  	_ =	shalt  }
0x65: {  	_ =	shalt  }
0x66: {  	_ =	shalt  }
0x67: {  	_ =	shalt  }
0x68: {  	_ =	shalt  }
0x69: {  	_ =	shalt  }
0x6a: {  	_ =	shalt  }
0x6b: {  	_ =	shalt  }
0x6c: {  	_ =	shalt  }
0x6d: {  	_ =	shalt  }
0x6e: {  	_ =	shalt  }
0x6f: {  	_ =	shalt  }
0x70: {  	_ =	shalt  }
0x71: {  	_ =	shalt  }
0x72: {  	_ =	shalt  }
0x73: {  	_ =	shalt  }
0x74: {  	_ =	shalt  }
0x75: {  	_ =	shalt  }
0x76: {  	_ =	shalt  }
0x77: {  	_ =	shalt  }
0x78: {  	_ =	shalt  }
0x79: {  	_ =	shalt  }
0x7a: {  	_ =	shalt  }
0x7b: {  	_ =	shalt  }
0x7c: {  	_ =	shalt  }
0x7d: {  	_ =	shalt  }
0x7e: {  	_ =	shalt  }
0x7f: {  	_ =	shalt  }
0x80: {  	_ =	shalt  }
0x81: {  	_ =	shalt  }
0x82: {  	_ =	shalt  }
0x83: {  	_ =	shalt  }
0x84: {  	_ =	shalt  }
0x85: {  	_ =	shalt  }
0x86: {  	_ =	shalt  }
0x87: {  	_ =	shalt  }
.Lfunc_end0:
.L_simem_size_0:
called_computation_lowered:
.L_overlay_start_0:
0x88: {  	s2 =	sld [smem:$0x3FD9]  }
0x89: {  	s3 =	sld [smem:$0x3FFE];
	_ =	sdelay $0x1  }
0x8a: {  	s1 =	srdreg.scid  }
0x8b: {  	s0 =	sand.u32 $0x1, s1  }
0x8c: {  	s17 =	sshll.u32 s0, $0xA;
	s2 =	sadd.s32 s3, s2  }
0x8d: {  	s2 =	sadd.s32 s2, s17  }
0x8e: {  	[smem:$0x3FC4] =	sst s2  }
0x8f: {  	_ = 	snop  }
0x90: {  	s2 =	sld [smem:$0x3FD0];
	(tm) =	ssettm $0x1  }
0x91: {  	s18 =	sld [smem:$0x3FFB];
	_ =	sdelay $0x3  }
0x92: {  	_ =	strace s18  }
0x93: {  	s3 =	sld [smem:$0x3FFC];
	_ =	sdelay $0x3  }
0x94: {  	_ =	strace s3  }
0x95: {  	s3 =	sld [smem:$0x3FFD];
	_ =	sdelay $0x3  }
0x96: {  	_ =	strace s3  }
0x97: {  	_ =	strace $0x8FFFFFFF  }
0x98: {  	s19 =	sld [smem:$0x3FDB];
	_ =	sdelay $0x1  }
0x99: {  	s4 =	simm.s32 $_scs_section_size  }
0x9a: {  	s5 =	simm.s32 $_size__tile_overlayer_lowered;
	s6 =	simm.s32 $_tile_overlayer_lowered  }
0x9b: {  	s22 =	simm.s32 $0x1BFF;
	s21 =	sshll.u32 s6, $0x1;
	s3 =	sadd.s32 s4, s19  }
0x9c: {  	s7 =	simm.s32 $0x0;
	s20 =	sshll.u32 s5, $0x1;
	s5 =	sadd.s32 s21, s3  }
0x9d: {  	[timem:s7], [sflag:s22] =	dma.local [hbm:s5], s20  }
0x9e: {  	_ =	swait.ge [sflag:s22], s20  }
0x9f: {  	s4 =	ssub.s32 $0x0, s20;
	[sflag:s22] =	ssyncset.done $0x0  }
0xa0: {  	[sflag:s22] =	ssyncadd.s32 s4;
	_ =	sdelay $0x1  }
0xa1: {  	s23 =	simm.s32 $0x1B8B  }
0xa2: {  	_ =	swait.ge [sflag:s23], $0x1  }
0xa3: {  	[sflag:s23] =	ssyncset.done $0x0  }
0xa4: {  	s25 =	simm.s32 $0x1B8E;
	s24 =	sld [smem:$0x3FFE];
	[sflag:s23] =	ssyncadd.s32 $0xFFFFFFFF  }
0xa5: {  	s26 =	simm.s32 $execute0_lowered;
	[smem:$0x3FD2] =	sst s25  }
0xa6: {  	s5 =	sshll.u32 s26, $0x1;
	_ =	strace $0x80000046;
	[dreg:$0x1] =	wrdreg $0xFFFFFFFF  }
0xa7: {  	s28 =	simm.s32 $_size_execute0_lowered;
	s3 =	sadd.s32 s3, s5;
	[dreg:$0x0] =	wrdreg $0x0  }
0xa8: {  	s5 =	sshll.u32 s28, $0x1;
	[dreg:$0x2] =	wrdreg s3  }
0xa9: {  	[dreg:$0x3] =	wrdreg s5  }
0xaa: {  	[dreg:$0x4] =	wrdreg $0xC0  }
0xab: {  	_ =	task [dreg:s7], $0x5FFFF  }
0xac: {  	[dreg:$0x1] =	wrdreg $0xFFFFFFFF  }
0xad: {  	[dreg:$0x0] =	wrdreg $0x60  }
0xae: {  	[dreg:$0x2] =	wrdreg s24  }
0xaf: {  	[dreg:$0x3] =	wrdreg s2  }
0xb0: {  	[dreg:$0x4] =	wrdreg $0x9  }
0xb1: {  	_ =	task.clear_ibuf [dreg:s7], $0x5FFFF;
	_ =	strace $0x90000046  }
0xb2: {  	s29 =	simm.s32 $0x9;
	_ =	strace $0x80000048  }
0xb3: {  	_ =	swait.ge [sflag:s29], $0x1  }
0xb4: {  	[sflag:s29] =	ssyncadd.s32 $0xFFFFFFFF  }
0xb5: {  	_ =	strace $0x90000048  }
0xb6: {  	_ =	sfence  }
0xb7: {  	s30 =	sld [smem:$0x0];
	_ =	sdelay $0x2  }
0xb8: {  	s31 =	sshll.u32 s1, $0xD;
	s1 =	sshrl.u32 s1, $0x2  }
0xb9: {  	s3 =	sand.u32 $0x4000, s31;
	s1 =	sadd.s32 s1, s30  }
0xba: {  	s0 =	sor.u32 s3, s0;
	s1 =	sshll.u32 s1, $0x11  }
0xbb: {  	s0 =	sor.u32 s1, s0  }
0xbc: {  	s0 =	sadd.s32 $0x8F2B, s0  }
0xbd: {  	[sflag:s0] =	ssyncadd.remote.s32 $0x1  }
0xbe: {  	_ =	sfence.sel $0xFFFF  }
0xbf: {  	[dreg:$0x0] =	wrdreg $0xFFFFFFFF;
	(pc) =	sbr.abs _section_cstart, $3  }
0xc0: {  	[dreg:$0x1] =	wrdreg $0xFFFFFFFF  }
0xc1: {  	_ =	task.clear_ibuf [dreg:s7], $0x2FFFF;
	_ =	strace $0x9FFFFFFF  }
0xc2: {  	(tm) =	ssettm $0x7FFFFFFF  }
0xc3: {  	_ =	shalt  }
tec
execute0_lowered:
.L_overlay_start_1:
0x0: {  	(tag) =	ssettag $0x1  }
0x1: {  	s4 =	rddreg [dreg:$0x0]  }
0x2: {  	s5 =	rddreg [dreg:$0x1]  }
0x3: {  	s0 =	rddreg [dreg:$0x2]  }
0x4: {  	s2 =	simm.s32 $0x0;
	s3 =	srdreg.scid;
	s1 =	stileid.u32  }
0x5: {  	s10 =	simm.s32 $0x3400;
	s11 =	simm.s32 $0xB400;
	s12 =	simm.s32 $0x1  }
0x6: {  	s13 =	simm.s32 $0x2;
	s14 =	simm.s32 $0x13400;
	s15 =	simm.s32 $0x0  }
0x7: {  	[smem:$0x7FF] =	sst s2;
	s3 =	sand.u32 $0x1, s3;
	s6 =	sshll.u32 s1, $0x1  }
0x8: {  	_ =	strace $0x80000047;
	s6 =	sor.u32 s3, s6;
	s7 =	ssub.s32 $0x2, s3  }
0x9: {  	s3 =	sadd.s32 $0xD600, s4;
	s8 =	sshll.u32 s6, $0x6;
	s9 =	sshrl.u32 s7, $0x1  }
0xa: {  	s6 =	sshll.u32 s6, $0xC;
	s4 =	sadd.s32 s8, s4;
	s7 =	ssub.s32 s7, s9  }
0xb: {  	s5 =	sadd.s32 s5, s6;
	s8 =	simm.s32 $0x4000;
	s9 =	simm.s32 $0x3  }
0xc: {  	v0 =	vimm.f32 $0.0e+00;
	s4 =	sadd.s32 $0x600, s4;
	s6 =	smax.u32 s7, $0x1;
	s7 =	simm.s32 $0x200  }
.LBB2_1:
0xd: {  	[tilespmem:s2], [sflag:$0x3] =	stream.strided.gather [hbm4b:s4+s7], $0x3400, s8, s7, $0x38;
	[tilespmem:$0x1B400] =	vst v63  }
0xe: {  	_ =	swait.ge [sflag:s9], $0x3400  }
0xf: {  	[sflag:s9] =	ssyncset.done $0x0  }
0x10: {  	s16 =	simm.s32 $0x0;
	s17 =	simm.s32 $0x200;
	[sflag:s9] =	ssyncadd.s32 $0xFFFFCC00  }
.LBB2_2:
0x11: {  	p0 =	sne.s32 s17, $0x1FE00;
	[tilespmem:s16+$0x13470] =	vst v0  }
0x12: {  	[tilespmem:s16+$0x13400] =	vst v0  }
0x13: {  	[tilespmem:s16+$0x13410] =	vst v0  }
.Ltmp0:
0x14: {  	[tilespmem:s16+$0x13420] =	vst v0;
	(pc) =	sbr.rel @p0 .LBB2_2-.Ltmp0, $4  }
0x15: {  	[tilespmem:s16+$0x13430] =	vst v0  }
0x16: {  	[tilespmem:s16+$0x13440] =	vst v0  }
0x17: {  	[tilespmem:s16+$0x13450] =	vst v0  }
0x18: {  	[tilespmem:s16+$0x13460] =	vst v0;
	s16 =	sshra.s32 s17, $0x2;
	s17 =	sadd.s32 $0x200, s17  }
0x19: {  	[tilespmem:s16+$0x13470] =	vst v0  }
0x1a: {  	[tilespmem:s16+$0x13400] =	vst v0  }
0x1b: {  	[tilespmem:s16+$0x13410] =	vst v0  }
0x1c: {  	[tilespmem:s16+$0x13420] =	vst v0  }
0x1d: {  	[tilespmem:s16+$0x13430] =	vst v0  }
0x1e: {  	[tilespmem:s16+$0x13440] =	vst v0  }
0x1f: {  	[tilespmem:s16+$0x13450] =	vst v0  }
0x20: {  	[tilespmem:s16+$0x13460] =	vst v0;
	s16 =	simm.s32 $0x0  }
0x21: {  	[tilespmem:s10], [sflag:$0x1] =	stream.indirect.gather [hbm4b:s3+s7], $0x40, s16, s7, $0xb8;
	[tilespmem:$0x1B400] =	vst v63  }
0x22: {  	_ = 	snop  }
0x23: {  	[tilespmem:s11], [sflag:$0x2] =	stream.indirect.gather [hbm4b:s3+s7], $0x40, s7, s7, $0xb8;
	[tilespmem:$0x1B400] =	vst v63  }
.LBB2_4:
0x24: {  	_ =	swait.ge [sflag:s12], $0x8000  }
0x25: {  	[sflag:s12] =	ssyncset.done $0x0  }
0x26: {  	[sflag:s12] =	ssyncadd.s32 $0xFFFF8000  }
0x27: {  	_ =	swait.ge [sflag:s13], $0x8000  }
0x28: {  	[sflag:s13] =	ssyncset.done $0x0  }
0x29: {  	s17 =	simm.s32 $0x0;
	[sflag:s13] =	ssyncadd.s32 $0xFFFF8000  }
0x2a: {  	s18 =	simm.s32 $0x400;
	v1 =	vld [tilespmem:s17+$0x34F0]  }
.LBB2_5:
0x2b: {  	p0 =	sne.s32 s18, $0x1FC00;
	v2 =	vld [tilespmem:s17+$0xB4F0]  }
0x2c: {  	v3 =	vld [tilespmem:s17+$0x3400]  }
0x2d: {  	v4 =	vld [tilespmem:s17+$0xB400]  }
0x2e: {  	v5 =	vld [tilespmem:s17+$0x3410]  }
0x2f: {  	v6 =	vld [tilespmem:s17+$0xB410]  }
0x30: {  	v7 =	vld [tilespmem:s17+$0x3420];
	v1 =	vadd.f32 v2, v1  }
0x31: {  	v2 =	vld [tilespmem:s17+$0xB420]  }
0x32: {  	v3 =	vadd.f32 v4, v3;
	[tilespmem:s17+$0x134F0] =	vst.add.f32.msk $0xffff, v1  }
0x33: {  	v1 =	vld [tilespmem:s17+$0x3430]  }
0x34: {  	v4 =	vadd.f32 v6, v5;
	v5 =	vld [tilespmem:s17+$0xB430]  }
0x35: {  	v6 =	vld [tilespmem:s17+$0x3440]  }
0x36: {  	v2 =	vadd.f32 v2, v7;
	v7 =	vld [tilespmem:s17+$0xB440]  }
0x37: {  	v8 =	vld [tilespmem:s17+$0x3450]  }
0x38: {  	v9 =	vld [tilespmem:s17+$0xB450]  }
0x39: {  	v1 =	vadd.f32 v5, v1;
	v5 =	vld [tilespmem:s17+$0x3460]  }
0x3a: {  	v10 =	vld [tilespmem:s17+$0xB460]  }
0x3b: {  	v6 =	vadd.f32 v7, v6;
	v7 =	vld [tilespmem:s17+$0x3470]  }
0x3c: {  	v11 =	vld [tilespmem:s17+$0xB470]  }
0x3d: {  	v8 =	vadd.f32 v9, v8;
	v9 =	vld [tilespmem:s17+$0x3480]  }
0x3e: {  	v12 =	vld [tilespmem:s17+$0xB480]  }
0x3f: {  	v5 =	vadd.f32 v10, v5;
	v10 =	vld [tilespmem:s17+$0x3490]  }
0x40: {  	v13 =	vld [tilespmem:s17+$0xB490]  }
0x41: {  	v7 =	vadd.f32 v11, v7;
	v11 =	vld [tilespmem:s17+$0x34A0]  }
0x42: {  	v14 =	vld [tilespmem:s17+$0xB4A0]  }
0x43: {  	v9 =	vadd.f32 v12, v9;
	v12 =	vld [tilespmem:s17+$0x34B0]  }
0x44: {  	v15 =	vld [tilespmem:s17+$0xB4B0]  }
0x45: {  	v10 =	vadd.f32 v13, v10;
	v13 =	vld [tilespmem:s17+$0x34C0]  }
0x46: {  	v16 =	vld [tilespmem:s17+$0xB4C0]  }
0x47: {  	v11 =	vadd.f32 v14, v11;
	v14 =	vld [tilespmem:s17+$0x34D0]  }
0x48: {  	v17 =	vld [tilespmem:s17+$0xB4D0]  }
0x49: {  	v12 =	vadd.f32 v15, v12;
	v15 =	vld [tilespmem:s17+$0x34E0]  }
0x4a: {  	v18 =	vld [tilespmem:s17+$0xB4E0]  }
0x4b: {  	[tilespmem:s17+$0x13400] =	vst.add.f32.msk $0xffff, v3;
	v3 =	vadd.f32 v16, v13  }
0x4c: {  	[tilespmem:s17+$0x13410] =	vst.add.f32.msk $0xffff, v4  }
0x4d: {  	[tilespmem:s17+$0x13420] =	vst.add.f32.msk $0xffff, v2;
	v2 =	vadd.f32 v17, v14  }
0x4e: {  	[tilespmem:s17+$0x13430] =	vst.add.f32.msk $0xffff, v1  }
0x4f: {  	[tilespmem:s17+$0x13440] =	vst.add.f32.msk $0xffff, v6;
	v1 =	vadd.f32 v18, v15  }
0x50: {  	[tilespmem:s17+$0x13450] =	vst.add.f32.msk $0xffff, v8  }
0x51: {  	[tilespmem:s17+$0x13460] =	vst.add.f32.msk $0xffff, v5  }
0x52: {  	[tilespmem:s17+$0x13470] =	vst.add.f32.msk $0xffff, v7  }
0x53: {  	[tilespmem:s17+$0x13480] =	vst.add.f32.msk $0xffff, v9  }
0x54: {  	[tilespmem:s17+$0x13490] =	vst.add.f32.msk $0xffff, v10  }
0x55: {  	[tilespmem:s17+$0x134A0] =	vst.add.f32.msk $0xffff, v11  }
.Ltmp1:
0x56: {  	[tilespmem:s17+$0x134B0] =	vst.add.f32.msk $0xffff, v12;
	(pc) =	sbr.rel @p0 .LBB2_5-.Ltmp1, $4  }
0x57: {  	[tilespmem:s17+$0x134C0] =	vst.add.f32.msk $0xffff, v3  }
0x58: {  	[tilespmem:s17+$0x134D0] =	vst.add.f32.msk $0xffff, v2  }
0x59: {  	[tilespmem:s17+$0x134E0] =	vst.add.f32.msk $0xffff, v1;
	s17 =	sshra.s32 s18, $0x2  }
0x5a: {  	s18 =	sadd.s32 $0x400, s18;
	v1 =	vld [tilespmem:s17+$0x34F0]  }
0x5b: {  	v2 =	vld [tilespmem:s17+$0xB4F0]  }
0x5c: {  	v3 =	vld [tilespmem:s17+$0x3400]  }
0x5d: {  	v4 =	vld [tilespmem:s17+$0xB400]  }
0x5e: {  	v5 =	vld [tilespmem:s17+$0x3410]  }
0x5f: {  	v6 =	vld [tilespmem:s17+$0xB410]  }
0x60: {  	v7 =	vld [tilespmem:s17+$0x3420]  }
0x61: {  	v8 =	vld [tilespmem:s17+$0xB430]  }
0x62: {  	v9 =	vld [tilespmem:s17+$0x3440]  }
0x63: {  	v10 =	vld [tilespmem:s17+$0xB440]  }
0x64: {  	v11 =	vld [tilespmem:s17+$0x3450]  }
0x65: {  	v12 =	vld [tilespmem:s17+$0xB450]  }
0x66: {  	v13 =	vld [tilespmem:s17+$0x3460]  }
0x67: {  	v14 =	vld [tilespmem:s17+$0xB460]  }
0x68: {  	v15 =	vld [tilespmem:s17+$0x3470]  }
0x69: {  	v16 =	vld [tilespmem:s17+$0xB470]  }
0x6a: {  	v17 =	vld [tilespmem:s17+$0x3480]  }
0x6b: {  	v18 =	vld [tilespmem:s17+$0xB480]  }
0x6c: {  	v19 =	vld [tilespmem:s17+$0x3490]  }
0x6d: {  	v20 =	vld [tilespmem:s17+$0xB490]  }
0x6e: {  	v21 =	vld [tilespmem:s17+$0x34A0]  }
0x6f: {  	v22 =	vld [tilespmem:s17+$0xB4A0]  }
0x70: {  	v23 =	vld [tilespmem:s17+$0x34B0]  }
0x71: {  	v24 =	vld [tilespmem:s17+$0xB4B0]  }
0x72: {  	v25 =	vld [tilespmem:s17+$0x34C0]  }
0x73: {  	v26 =	vld [tilespmem:s17+$0xB4C0]  }
0x74: {  	v27 =	vld [tilespmem:s17+$0x34D0]  }
0x75: {  	v28 =	vld [tilespmem:s17+$0xB4D0]  }
0x76: {  	v62 =	vld [tilespmem:s17+$0x34E0];
	v1 =	vadd.f32 v2, v1  }
0x77: {  	v2 =	vld [tilespmem:s17+$0xB420]  }
0x78: {  	v3 =	vadd.f32 v4, v3;
	[tilespmem:s17+$0x134F0] =	vst.add.f32.msk $0xffff, v1  }
0x79: {  	v1 =	vld [tilespmem:s17+$0x3430]  }
0x7a: {  	[tilespmem:s17+$0x13400] =	vst.add.f32.msk $0xffff, v3;
	v3 =	vadd.f32 v10, v9  }
0x7b: {  	v63 =	vld [tilespmem:s17+$0xB4E0];
	v5 =	vadd.f32 v6, v5  }
0x7c: {  	[tilespmem:s17+$0x13440] =	vst.add.f32.msk $0xffff, v3;
	v3 =	vadd.f32 v16, v15  }
0x7d: {  	[tilespmem:s17+$0x13410] =	vst.add.f32.msk $0xffff, v5;
	v2 =	vadd.f32 v2, v7  }
0x7e: {  	[tilespmem:s17+$0x13470] =	vst.add.f32.msk $0xffff, v3;
	v3 =	vadd.f32 v22, v21  }
0x7f: {  	v1 =	vadd.f32 v8, v1;
	[tilespmem:s17+$0x13420] =	vst.add.f32.msk $0xffff, v2  }
0x80: {  	v2 =	vadd.f32 v12, v11;
	[tilespmem:s17+$0x134A0] =	vst.add.f32.msk $0xffff, v3  }
0x81: {  	v3 =	vadd.f32 v28, v27;
	[tilespmem:s17+$0x13430] =	vst.add.f32.msk $0xffff, v1  }
0x82: {  	v1 =	vadd.f32 v14, v13;
	[tilespmem:s17+$0x13450] =	vst.add.f32.msk $0xffff, v2  }
0x83: {  	v2 =	vadd.f32 v18, v17;
	[tilespmem:s17+$0x134D0] =	vst.add.f32.msk $0xffff, v3  }
0x84: {  	[tilespmem:s17+$0x13460] =	vst.add.f32.msk $0xffff, v1;
	v1 =	vadd.f32 v20, v19  }
0x85: {  	[tilespmem:s17+$0x13480] =	vst.add.f32.msk $0xffff, v2;
	v2 =	vadd.f32 v24, v23  }
0x86: {  	s18 =	sshll.u32 s16, $0xA;
	s16 =	sadd.s32 $0x1, s16;
	[tilespmem:s17+$0x13490] =	vst.add.f32.msk $0xffff, v1;
	v1 =	vadd.f32 v26, v25  }
0x87: {  	p0 =	sne.s32 s16, $0xC;
	[tilespmem:s17+$0x134B0] =	vst.add.f32.msk $0xffff, v2;
	v2 =	vadd.f32 v63, v62  }
.Ltmp2:
0x88: {  	s18 =	sand.u32 $0x3FFFFC00, s18;
	[tilespmem:s17+$0x134C0] =	vst.add.f32.msk $0xffff, v1;
	(pc) =	sbr.rel @p0 .LBB2_4-.Ltmp2, $4  }
0x89: {  	s30 =	sadd.s32 $0x400, s18;
	[tilespmem:s17+$0x134E0] =	vst.add.f32.msk $0xffff, v2  }
0x8a: {  	[tilespmem:s10], [sflag:$0x1] =	stream.indirect.gather [hbm4b:s3+s7], $0x40, s30, s7, $0xb8;
	[tilespmem:$0x1B400] =	vst v63  }
0x8b: {  	s31 =	sadd.s32 $0x600, s18  }
0x8c: {  	[tilespmem:s11], [sflag:$0x2] =	stream.indirect.gather [hbm4b:s3+s7], $0x40, s31, s7, $0xb8;
	[tilespmem:$0x1B400] =	vst v63  }
0x8d: {  	_ =	swait.ge [sflag:s12], $0x8000  }
0x8e: {  	[sflag:s12] =	ssyncset.done $0x0  }
0x8f: {  	[sflag:s12] =	ssyncadd.s32 $0xFFFF8000  }
0x90: {  	_ =	swait.ge [sflag:s13], $0x8000  }
0x91: {  	[sflag:s13] =	ssyncset.done $0x0  }
0x92: {  	s16 =	simm.s32 $0x0;
	[sflag:s13] =	ssyncadd.s32 $0xFFFF8000  }
0x93: {  	s17 =	simm.s32 $0x400;
	v1 =	vld [tilespmem:s16+$0x34F0]  }
.LBB2_8:
0x94: {  	p0 =	sne.s32 s17, $0x1FC00;
	v2 =	vld [tilespmem:s16+$0xB4F0]  }
0x95: {  	v3 =	vld [tilespmem:s16+$0x3400]  }
0x96: {  	v4 =	vld [tilespmem:s16+$0xB400]  }
0x97: {  	v5 =	vld [tilespmem:s16+$0x3410]  }
0x98: {  	v6 =	vld [tilespmem:s16+$0xB410]  }
0x99: {  	v7 =	vld [tilespmem:s16+$0x3420];
	v1 =	vadd.f32 v2, v1  }
0x9a: {  	v2 =	vld [tilespmem:s16+$0xB420]  }
0x9b: {  	v3 =	vadd.f32 v4, v3;
	[tilespmem:s16+$0x134F0] =	vst.add.f32.msk $0xffff, v1  }
0x9c: {  	v1 =	vld [tilespmem:s16+$0x3430]  }
0x9d: {  	v4 =	vadd.f32 v6, v5;
	v5 =	vld [tilespmem:s16+$0xB430]  }
0x9e: {  	v6 =	vld [tilespmem:s16+$0x3440]  }
0x9f: {  	v2 =	vadd.f32 v2, v7;
	v7 =	vld [tilespmem:s16+$0xB440]  }
0xa0: {  	v8 =	vld [tilespmem:s16+$0x3450]  }
0xa1: {  	v9 =	vld [tilespmem:s16+$0xB450]  }
0xa2: {  	v1 =	vadd.f32 v5, v1;
	v5 =	vld [tilespmem:s16+$0x3460]  }
0xa3: {  	v10 =	vld [tilespmem:s16+$0xB460]  }
0xa4: {  	v6 =	vadd.f32 v7, v6;
	v7 =	vld [tilespmem:s16+$0x3470]  }
0xa5: {  	v11 =	vld [tilespmem:s16+$0xB470]  }
0xa6: {  	v8 =	vadd.f32 v9, v8;
	v9 =	vld [tilespmem:s16+$0x3480]  }
0xa7: {  	v12 =	vld [tilespmem:s16+$0xB480]  }
0xa8: {  	v5 =	vadd.f32 v10, v5;
	v10 =	vld [tilespmem:s16+$0x3490]  }
0xa9: {  	v13 =	vld [tilespmem:s16+$0xB490]  }
0xaa: {  	v7 =	vadd.f32 v11, v7;
	v11 =	vld [tilespmem:s16+$0x34A0]  }
0xab: {  	v14 =	vld [tilespmem:s16+$0xB4A0]  }
0xac: {  	v9 =	vadd.f32 v12, v9;
	v12 =	vld [tilespmem:s16+$0x34B0]  }
0xad: {  	v15 =	vld [tilespmem:s16+$0xB4B0]  }
0xae: {  	v10 =	vadd.f32 v13, v10;
	v13 =	vld [tilespmem:s16+$0x34C0]  }
0xaf: {  	v16 =	vld [tilespmem:s16+$0xB4C0]  }
0xb0: {  	v11 =	vadd.f32 v14, v11;
	v14 =	vld [tilespmem:s16+$0x34D0]  }
0xb1: {  	v17 =	vld [tilespmem:s16+$0xB4D0]  }
0xb2: {  	v12 =	vadd.f32 v15, v12;
	v15 =	vld [tilespmem:s16+$0x34E0]  }
0xb3: {  	v18 =	vld [tilespmem:s16+$0xB4E0]  }
0xb4: {  	[tilespmem:s16+$0x13400] =	vst.add.f32.msk $0xffff, v3;
	v3 =	vadd.f32 v16, v13  }
0xb5: {  	[tilespmem:s16+$0x13410] =	vst.add.f32.msk $0xffff, v4  }
0xb6: {  	[tilespmem:s16+$0x13420] =	vst.add.f32.msk $0xffff, v2;
	v2 =	vadd.f32 v17, v14  }
0xb7: {  	[tilespmem:s16+$0x13430] =	vst.add.f32.msk $0xffff, v1  }
0xb8: {  	[tilespmem:s16+$0x13440] =	vst.add.f32.msk $0xffff, v6;
	v1 =	vadd.f32 v18, v15  }
0xb9: {  	[tilespmem:s16+$0x13450] =	vst.add.f32.msk $0xffff, v8  }
0xba: {  	[tilespmem:s16+$0x13460] =	vst.add.f32.msk $0xffff, v5  }
0xbb: {  	[tilespmem:s16+$0x13470] =	vst.add.f32.msk $0xffff, v7  }
0xbc: {  	[tilespmem:s16+$0x13480] =	vst.add.f32.msk $0xffff, v9  }
0xbd: {  	[tilespmem:s16+$0x13490] =	vst.add.f32.msk $0xffff, v10  }
0xbe: {  	[tilespmem:s16+$0x134A0] =	vst.add.f32.msk $0xffff, v11  }
.Ltmp3:
0xbf: {  	[tilespmem:s16+$0x134B0] =	vst.add.f32.msk $0xffff, v12;
	(pc) =	sbr.rel @p0 .LBB2_8-.Ltmp3, $4  }
0xc0: {  	[tilespmem:s16+$0x134C0] =	vst.add.f32.msk $0xffff, v3  }
0xc1: {  	[tilespmem:s16+$0x134D0] =	vst.add.f32.msk $0xffff, v2  }
0xc2: {  	[tilespmem:s16+$0x134E0] =	vst.add.f32.msk $0xffff, v1;
	s16 =	sshra.s32 s17, $0x2  }
0xc3: {  	s17 =	sadd.s32 $0x400, s17;
	v1 =	vld [tilespmem:s16+$0x34F0]  }
0xc4: {  	v2 =	vld [tilespmem:s16+$0xB4F0]  }
0xc5: {  	v3 =	vld [tilespmem:s16+$0x3400]  }
0xc6: {  	v4 =	vld [tilespmem:s16+$0xB400]  }
0xc7: {  	v5 =	vld [tilespmem:s16+$0x3410]  }
0xc8: {  	v6 =	vld [tilespmem:s16+$0xB410]  }
0xc9: {  	v7 =	vld [tilespmem:s16+$0x3420]  }
0xca: {  	v8 =	vld [tilespmem:s16+$0xB430]  }
0xcb: {  	v9 =	vld [tilespmem:s16+$0x3440]  }
0xcc: {  	v10 =	vld [tilespmem:s16+$0xB440]  }
0xcd: {  	v11 =	vld [tilespmem:s16+$0x3450]  }
0xce: {  	v12 =	vld [tilespmem:s16+$0xB450]  }
0xcf: {  	v13 =	vld [tilespmem:s16+$0x3460]  }
0xd0: {  	v14 =	vld [tilespmem:s16+$0xB460]  }
0xd1: {  	v15 =	vld [tilespmem:s16+$0x3470]  }
0xd2: {  	v16 =	vld [tilespmem:s16+$0xB470]  }
0xd3: {  	v17 =	vld [tilespmem:s16+$0x3480]  }
0xd4: {  	v18 =	vld [tilespmem:s16+$0xB480]  }
0xd5: {  	v19 =	vld [tilespmem:s16+$0x3490]  }
0xd6: {  	v20 =	vld [tilespmem:s16+$0xB490]  }
0xd7: {  	v21 =	vld [tilespmem:s16+$0x34A0]  }
0xd8: {  	v22 =	vld [tilespmem:s16+$0xB4A0]  }
0xd9: {  	v23 =	vld [tilespmem:s16+$0x34B0]  }
0xda: {  	v24 =	vld [tilespmem:s16+$0xB4B0]  }
0xdb: {  	v25 =	vld [tilespmem:s16+$0x34C0]  }
0xdc: {  	v26 =	vld [tilespmem:s16+$0xB4C0]  }
0xdd: {  	v27 =	vld [tilespmem:s16+$0x34D0]  }
0xde: {  	v28 =	vld [tilespmem:s16+$0xB4D0]  }
0xdf: {  	v1 =	vadd.f32 v2, v1;
	v2 =	vld [tilespmem:s16+$0xB420]  }
0xe0: {  	v3 =	vadd.f32 v4, v3;
	v4 =	vld [tilespmem:s16+$0x34E0]  }
0xe1: {  	[tilespmem:s16+$0x134F0] =	vst.add.f32.msk $0xffff, v1  }
0xe2: {  	v1 =	vld [tilespmem:s16+$0x3430]  }
0xe3: {  	[tilespmem:s16+$0x13400] =	vst.add.f32.msk $0xffff, v3;
	v3 =	vadd.f32 v10, v9  }
0xe4: {  	v5 =	vadd.f32 v6, v5;
	v6 =	vld [tilespmem:s16+$0xB4E0]  }
0xe5: {  	[tilespmem:s16+$0x13440] =	vst.add.f32.msk $0xffff, v3;
	v3 =	vadd.f32 v16, v15  }
0xe6: {  	[tilespmem:s16+$0x13410] =	vst.add.f32.msk $0xffff, v5;
	v2 =	vadd.f32 v2, v7  }
0xe7: {  	[tilespmem:s16+$0x13470] =	vst.add.f32.msk $0xffff, v3;
	v3 =	vadd.f32 v22, v21  }
0xe8: {  	v1 =	vadd.f32 v8, v1;
	[tilespmem:s16+$0x13420] =	vst.add.f32.msk $0xffff, v2  }
0xe9: {  	v2 =	vadd.f32 v12, v11;
	[tilespmem:s16+$0x134A0] =	vst.add.f32.msk $0xffff, v3  }
0xea: {  	v3 =	vadd.f32 v28, v27;
	[tilespmem:s16+$0x13430] =	vst.add.f32.msk $0xffff, v1  }
0xeb: {  	v1 =	vadd.f32 v14, v13;
	[tilespmem:s16+$0x13450] =	vst.add.f32.msk $0xffff, v2  }
0xec: {  	v2 =	vadd.f32 v18, v17;
	[tilespmem:s16+$0x134D0] =	vst.add.f32.msk $0xffff, v3  }
0xed: {  	[tilespmem:s16+$0x13460] =	vst.add.f32.msk $0xffff, v1;
	v1 =	vadd.f32 v20, v19  }
0xee: {  	[tilespmem:s16+$0x13480] =	vst.add.f32.msk $0xffff, v2;
	v2 =	vadd.f32 v24, v23  }
0xef: {  	[tilespmem:s16+$0x13490] =	vst.add.f32.msk $0xffff, v1;
	v1 =	vadd.f32 v26, v25  }
0xf0: {  	[tilespmem:s16+$0x134B0] =	vst.add.f32.msk $0xffff, v2;
	v2 =	vadd.f32 v6, v4  }
0xf1: {  	[tilespmem:s16+$0x134C0] =	vst.add.f32.msk $0xffff, v1  }
0xf2: {  	[tilespmem:s16+$0x134E0] =	vst.add.f32.msk $0xffff, v2;
	s16 =	simm.s32 $0x0  }
0xf3: {  	v3 =	vld [tilespmem:s16+$0x13400]  }
0xf4: {  	v5 =	vld [tilespmem:s16+$0x13410]  }
0xf5: {  	v4 =	vld [tilespmem:s16+$0x13420]  }
0xf6: {  	v2 =	vld [tilespmem:s16+$0x13430]  }
0xf7: {  	v1 =	vld [tilespmem:s16+$0x13440]  }
0xf8: {  	v6 =	vmax.f32 v3, $0.0e+00;
	v3 =	vld [tilespmem:s16+$0x13450]  }
0xf9: {  	s17 =	simm.s32 $0x200;
	[tilespmem:s16+$0x13400] =	vst v6;
	v6 =	vmax.f32 v5, $0.0e+00;
	v5 =	vld [tilespmem:s16+$0x13460]  }
.LBB2_10:
0xfa: {  	s18 =	sshra.s32 s17, $0x2;
	p0 =	sne.s32 s17, $0x1FE00;
	[tilespmem:s16+$0x13410] =	vst v6;
	v4 =	vmax.f32 v4, $0.0e+00;
	v6 =	vld [tilespmem:s16+$0x13470]  }
0xfb: {  	v7 =	vld [tilespmem:s18+$0x13400];
	[tilespmem:s16+$0x13420] =	vst v4;
	v2 =	vmax.f32 v2, $0.0e+00  }
0xfc: {  	v8 =	vld [tilespmem:s18+$0x13410];
	[tilespmem:s16+$0x13430] =	vst v2;
	v1 =	vmax.f32 v1, $0.0e+00  }
.Ltmp4:
0xfd: {  	v4 =	vld [tilespmem:s18+$0x13420];
	[tilespmem:s16+$0x13440] =	vst v1;
	v1 =	vmax.f32 v3, $0.0e+00;
	(pc) =	sbr.rel @p0 .LBB2_10-.Ltmp4, $4  }
0xfe: {  	v2 =	vld [tilespmem:s18+$0x13430];
	[tilespmem:s16+$0x13450] =	vst v1;
	v3 =	vmax.f32 v5, $0.0e+00  }
0xff: {  	v1 =	vld [tilespmem:s18+$0x13440];
	[tilespmem:s16+$0x13460] =	vst v3;
	v5 =	vmax.f32 v6, $0.0e+00  }
0x100: {  	v6 =	vmax.f32 v7, $0.0e+00;
	v3 =	vld [tilespmem:s18+$0x13450];
	[tilespmem:s16+$0x13470] =	vst v5;
	s16 =	smov.u32 s18  }
0x101: {  	s17 =	sadd.s32 $0x200, s17;
	[tilespmem:s16+$0x13400] =	vst v6;
	v6 =	vmax.f32 v8, $0.0e+00;
	v5 =	vld [tilespmem:s16+$0x13460]  }
0x102: {  	[tilespmem:s16+$0x13410] =	vst v6;
	v4 =	vmax.f32 v4, $0.0e+00;
	v63 =	vld [tilespmem:s16+$0x13470]  }
0x103: {  	[tilespmem:s16+$0x13420] =	vst v4;
	v2 =	vmax.f32 v2, $0.0e+00  }
0x104: {  	[tilespmem:s16+$0x13430] =	vst v2;
	v1 =	vmax.f32 v1, $0.0e+00  }
0x105: {  	[tilespmem:s16+$0x13440] =	vst v1;
	v1 =	vmax.f32 v3, $0.0e+00  }
0x106: {  	s15 =	sadd.s32 $0x1, s15;
	[tilespmem:s16+$0x13450] =	vst v1;
	v1 =	vmax.f32 v5, $0.0e+00  }
0x107: {  	p0 =	sne.s32 s15, s6;
	[tilespmem:s16+$0x13460] =	vst v1;
	v1 =	vmax.f32 v63, $0.0e+00  }
.Ltmp5:
0x108: {  	[tilespmem:s16+$0x13470] =	vst v1;
	(pc) =	sbr.rel @p0 .LBB2_1-.Ltmp5, $4  }
0x109: {  	[hbm4b:s5+s2] =	stream.linear.scatter [tilespmem:s14], [sflag:$0x3], $0x8000, $0x38;
	[tilespmem:$0x1B400] =	vst v63  }
0x10a: {  	_ =	swait.ge [sflag:s9], $0x8000  }
0x10b: {  	[sflag:s9] =	ssyncset.done $0x0  }
0x10c: {  	[sflag:s9] =	ssyncadd.s32 $0xFFFF8000  }
0x10d: {  	_ =	sfence.sel $0x180000  }
0x10e: {  	[bflag:$0x0] =	sbarrier.arrive $0xFFFF  }
0x10f: {  	p0 =	sne.s32 s1, $0x0;
	_ =	strace $0x90000047  }
0x110: {  	s0 =	sadd.s32 @!p0 $0x100000, s0;
	[bflag:$0x2] =	sbarrier.arrive $0xFFFF  }
0x111: {  	[sflag:s0] =	ssyncadd.tile.s32 @!p0 $0x1;
	_ =	shalt  }
.Lfunc_end2:
_tile_overlayer_lowered:
.L_overlay_start_2:
0x112: {  	(tag) =	ssettag $0x2  }
0x113: {  	s0 =	rddreg [dreg:$0x0];
	s2 =	stileid.u32  }
0x114: {  	s1 =	rddreg [dreg:$0x1];
	p0 =	sne.s32 s2, $0x0  }
0x115: {  	s3 =	rddreg [dreg:$0x2];
	[bflag:$0x3] =	sbarrier.arrive $0xFFFF;
	s2 =	simm.s32 @!p0 $0x1C03  }
0x116: {  	[timem:s3], [sflag:s2] =	dma.local @!p0 [hbm:s0], s1  }
0x117: {  	s0 =	simm.s32 @!p0 $0x3  }
0x118: {  	_ =	swait.ge @!p0 [sflag:s0], s1  }
0x119: {  	s1 =	ssub.s32 @!p0 $0x0, s1;
	[sflag:s0] =	ssyncset.done @!p0 $0x0  }
0x11a: {  	[sflag:s0] =	ssyncadd.s32 @!p0 s1  }
0x11b: {  	[bflag:$0x3] =	sbarrier.arrive $0xFFFF  }
0x11c: {  	_ =	shalt  }

</sc_bundles>
